<compile_context>
chip_gen: v7x
topology: tpu7x:2x2x1
jax: 0.10.2.dev20260603
libtpu: 0.0.44.dev20260713+nightly
codegen_flags: <defaults>
</compile_context>

<pallas_src>
import functools

import jax
import jax.numpy as jnp
from jax import lax
from jax.experimental import pallas as pl
from jax.experimental.pallas import tpu as pltpu
from jax.experimental.pallas import tpu_sc as plsc


def _sc_gather_rows(pred_t, y_idx, B):
    info = plsc.get_sparse_core_info()
    NS, L = info.num_subcores, info.num_lanes
    NW = NS
    b_per_w = B // NW
    mesh = plsc.VectorSubcoreMesh(core_axis_name="c", subcore_axis_name="s",
                                  num_cores=1)

    @functools.partial(
        pl.kernel,
        mesh=mesh,
        out_type=jax.ShapeDtypeStruct((B,), jnp.float32),
        scratch_types=[
            pltpu.VMEM((b_per_w,), jnp.int32),
            pltpu.VMEM((b_per_w, 128), jnp.float32),
            pltpu.VMEM((b_per_w,), jnp.float32),
            pltpu.SemaphoreType.DMA,
        ],
    )
    def k(pred_hbm, yidx_hbm, out_hbm, yidx_v, rows_v, gath_v, sem):
        wid = lax.axis_index("s")
        base = wid * b_per_w
        col0 = pl.multiple_of((wid // 2) * 128, 128)
        off = (wid % 2) * b_per_w
        pltpu.sync_copy(yidx_hbm.at[pl.ds(base, b_per_w)], yidx_v)
        pltpu.async_copy(pred_hbm.at[yidx_v, pl.ds(col0, 128)], rows_v,
                         sem).wait()
        for g in range(b_per_w // L):
            lanes = lax.iota(jnp.int32, L)
            acc = jnp.zeros((L,), jnp.float32)
            for j in range(L):
                acc = jnp.where(lanes == j,
                                rows_v[g * L + j, pl.ds(off + g * L, L)], acc)
            gath_v[pl.ds(g * L, L)] = acc
        pltpu.sync_copy(gath_v, out_hbm.at[pl.ds(base, b_per_w)])

    return k(pred_t, y_idx)


def _tail_body(T, tail_ref, ocr_ref, y_ref, out_ref):
    match = ocr_ref[...] == y_ref[...][None, :]
    out_ref[...] = jnp.sum(jnp.where(match, tail_ref[:T, :], 0.0), axis=0)


def _combine_body(csum_ref, inocr_ref, gath_ref, out_ref):
    final = csum_ref[...] + jnp.where(inocr_ref[...], 0.0, gath_ref[...])
    out_ref[0, 0] = -jnp.sum(jnp.log(final + 1e-45)) / final.shape[0]


def kernel(predictions, y, y_idx, in_ocr, ocr_words):
    B, TOT = predictions.shape
    T = ocr_words.shape[1]
    V = TOT - T

    pred_t = predictions.T
    gathered = _sc_gather_rows(pred_t, y_idx.astype(jnp.int32), B)

    TAIL_BLK = 80
    assert V % TAIL_BLK == 0
    copy_sum = pl.pallas_call(
        functools.partial(_tail_body, T),
        grid=(1,),
        in_specs=[
            pl.BlockSpec((TAIL_BLK, B), lambda i: (V // TAIL_BLK, 0)),
            pl.BlockSpec((T, B), lambda i: (0, 0)),
            pl.BlockSpec((B,), lambda i: (0,)),
        ],
        out_specs=pl.BlockSpec((B,), lambda i: (0,)),
        out_shape=jax.ShapeDtypeStruct((B,), jnp.float32),
    )(pred_t, ocr_words.astype(jnp.int32).T, y.astype(jnp.int32))

    out = pl.pallas_call(
        _combine_body,
        out_shape=jax.ShapeDtypeStruct((1, 1), jnp.float32),
        out_specs=pl.BlockSpec(memory_space=pltpu.SMEM),
    )(copy_sum, in_ocr, gathered)
    return out[0, 0]

# --- scband reference (transcript-rebuilt; emitter-appended) ---
"""Pipeline reference for scband-trainer-91139206021577 (READ-ONLY COPY).

The authoritative reference and input builder live on the scoring server;
editing this copy changes nothing except your own understanding.
"""

import jax, jax.numpy as jnp
import numpy as np

VOCAB_SIZE = 100000
MAX_TOKENS = 50
B = 1024


def setup_inputs(seed: int = 0) -> dict:
    key = jax.random.key(seed)
    k1, k2, k3, k4, k5 = jax.random.split(key, 5)
    predictions = jax.random.uniform(k1, (B, VOCAB_SIZE + MAX_TOKENS), dtype=jnp.float32)
    y = jax.random.randint(k2, (B,), 0, VOCAB_SIZE, dtype=jnp.int64 if jax.config.jax_enable_x64 else jnp.int32)
    y_idx = jax.random.randint(k3, (B,), 0, VOCAB_SIZE, dtype=jnp.int64 if jax.config.jax_enable_x64 else jnp.int32)
    in_ocr = jax.random.randint(k4, (B,), 0, 2).astype(jnp.bool_)
    ocr_words = jax.random.randint(k5, (B, MAX_TOKENS), 0, VOCAB_SIZE, dtype=jnp.int64 if jax.config.jax_enable_x64 else jnp.int32)
    return {"predictions": predictions, "y": y, "y_idx": y_idx, "in_ocr": in_ocr, "ocr_words": ocr_words}


def reference(predictions, y, y_idx, in_ocr, ocr_words):
    # copy_mask: 1 where the OCR token equals the ground-truth answer token
    copy_mask = (ocr_words == y[:, None]).astype(jnp.float32)
    copy_probs = predictions[:, VOCAB_SIZE:] * copy_mask
    # vocab_mask: one-hot over the vocabulary at y_idx, zeroed out for rows where the answer is in OCR
    n = y_idx.shape[0]
    vocab_mask = jnp.zeros((n, VOCAB_SIZE), dtype=jnp.float32).at[jnp.arange(n), y_idx].set(1.0)
    vocab_mask = jnp.where(in_ocr[:, None], jnp.zeros((), dtype=jnp.float32), vocab_mask)
    vocab_probs = predictions[:, :VOCAB_SIZE] * vocab_mask
    final_probs = jnp.concatenate((vocab_probs, copy_probs), axis=1)
    final_probs = jnp.sum(final_probs, axis=1)
    loss = -jnp.log(final_probs + 1e-45)
    loss = jnp.sum(loss) / loss.shape[0]
    return loss

if __name__ == "__main__":
    import jax
    _d = setup_inputs()
    print(jax.jit(kernel)(*tuple(_d.values())))

</pallas_src>

<mosaic_0001>
#map = affine_map<(d0, d1) -> (0, 0)>
#map1 = affine_map<(d0, d1) -> (0)>
module attributes {stable_mosaic.version = 14 : i64} {
  func.func @k(%arg0: i32, %arg1: i32, %arg2: memref<100050x1024xf32, #tpu.memory_space<hbm>>, %arg3: memref<1024xi32, #tpu.memory_space<hbm>>, %arg4: memref<1024xf32, #tpu.memory_space<hbm>>, %arg5: memref<64xi32, #tpu.memory_space<vmem>>, %arg6: memref<64x128xf32, #tpu.memory_space<vmem>>, %arg7: memref<64xf32, #tpu.memory_space<vmem>>, %arg8: memref<!tpu.dma_semaphore, #tpu.memory_space<semaphore_mem>>) attributes {dimension_semantics = [#tpu.dimension_semantics<core_parallel>, #tpu.dimension_semantics<subcore_parallel>], iteration_bounds = array<i64: 1, 16>, scalar_prefetch = 0 : i64, scratch_operands = 4 : i64, tpu.core_type = #tpu.core_type<sc_vector_subcore>, window_params = [{transform_indices = #map}, {transform_indices = #map1}, {transform_indices = #map1}]} {
    %mul3A = arith.constant 64 : i32
    %mul3A_0 = arith.muli %arg1, %mul3A : i32
    %jit3A = arith.constant 2 : i32
    %div3A = arith.divsi %arg1, %jit3A : i32
    %sign3A = arith.constant 0 : i32
    %sign3A_1 = arith.cmpi sgt, %arg1, %sign3A : i32
    %sign3A_2 = arith.extui %sign3A_1 : i1 to i32
    %sign3A_3 = arith.constant 0 : i32
    %sign3A_4 = arith.cmpi slt, %arg1, %sign3A_3 : i32
    %sign3A_5 = arith.extui %sign3A_4 : i1 to i32
    %sign3A_6 = arith.subi %sign3A_2, %sign3A_5 : i32
    %sign3A_7 = arith.constant 0 : i32
    %sign3A_8 = arith.cmpi sgt, %jit3A, %sign3A_7 : i32
    %sign3A_9 = arith.extui %sign3A_8 : i1 to i32
    %sign3A_10 = arith.constant 0 : i32
    %sign3A_11 = arith.cmpi slt, %jit3A, %sign3A_10 : i32
    %sign3A_12 = arith.extui %sign3A_11 : i1 to i32
    %sign3A_13 = arith.subi %sign3A_9, %sign3A_12 : i32
    %ne3A = arith.cmpi ne, %sign3A_6, %sign3A_13 : i32
    %rem3A = arith.remsi %arg1, %jit3A : i32
    %ne3A_14 = arith.constant 0 : i32
    %ne3A_15 = arith.cmpi ne, %rem3A, %ne3A_14 : i32
    %and3A = arith.andi %ne3A, %ne3A_15 : i1
    %sub3A = arith.constant 1 : i32
    %sub3A_16 = arith.subi %div3A, %sub3A : i32
    %select_n3A = arith.select %and3A, %sub3A_16, %div3A : i32
    %mul3A_17 = arith.constant 128 : i32
    %mul3A_18 = arith.muli %select_n3A, %mul3A_17 : i32
    %multiple_of3A = tpu.assume_multiple %mul3A_18, 128 : i32
    %jit3A_19 = arith.constant 2 : i32
    %eq3A = arith.constant 0 : i32
    %eq3A_20 = arith.cmpi eq, %jit3A_19, %eq3A : i32
    %jit3A_21 = arith.constant 1 : i32
    %select_n3A_22 = arith.select %eq3A_20, %jit3A_21, %jit3A_19 : i32
    %rem3A_23 = arith.remsi %arg1, %select_n3A_22 : i32
    %ne3A_24 = arith.constant 0 : i32
    %ne3A_25 = arith.cmpi ne, %rem3A_23, %ne3A_24 : i32
    %lt3A = arith.constant 0 : i32
    %lt3A_26 = arith.cmpi slt, %rem3A_23, %lt3A : i32
    %lt3A_27 = arith.constant 0 : i32
    %lt3A_28 = arith.cmpi slt, %select_n3A_22, %lt3A_27 : i32
    %ne3A_29 = arith.xori %lt3A_26, %lt3A_28 : i1
    %and3A_30 = arith.andi %ne3A_29, %ne3A_25 : i1
    %add3A = arith.addi %rem3A_23, %select_n3A_22 : i32
    %select_n3A_31 = arith.select %and3A_30, %add3A, %rem3A_23 : i32
    %mul3A_32 = arith.constant 64 : i32
    %mul3A_33 = arith.muli %select_n3A_31, %mul3A_32 : i32
    "tpu.region"() ({
      %run_scoped3A = tpu.sem_alloc : memref<!tpu.dma_semaphore, #tpu.memory_space<semaphore_mem>>
      %dma_start3A_764 = tpu.memref_slice %arg3[%mul3A_0] : memref<1024xi32, #tpu.memory_space<hbm>> -> memref<64xi32, #tpu.memory_space<hbm>>
      %dma_start3A_765 = tpu.memref_slice %arg3[%mul3A_0] : memref<1024xi32, #tpu.memory_space<hbm>> -> memref<64xi32, #tpu.memory_space<hbm>>
      tpu.enqueue_dma source(%dma_start3A_765 : memref<64xi32, #tpu.memory_space<hbm>>) target(%arg5 : memref<64xi32, #tpu.memory_space<vmem>>) target_semaphore(%run_scoped3A : memref<!tpu.dma_semaphore, #tpu.memory_space<semaphore_mem>>)
      %dma_wait3A_766 = tpu.memref_slice %arg3[%mul3A_0] : memref<1024xi32, #tpu.memory_space<hbm>> -> memref<64xi32, #tpu.memory_space<hbm>>
      %dma_wait3A_767 = tpu.memref_slice %arg3[%mul3A_0] : memref<1024xi32, #tpu.memory_space<hbm>> -> memref<64xi32, #tpu.memory_space<hbm>>
      tpu.wait_dma2 semaphore(%run_scoped3A : memref<!tpu.dma_semaphore, #tpu.memory_space<semaphore_mem>>) src(%dma_wait3A_767 : memref<64xi32, #tpu.memory_space<hbm>>) dst(%arg5 : memref<64xi32, #tpu.memory_space<vmem>>)
      tpu.yield
    }) : () -> ()
    %dma_start3A = arith.constant 0 : i32
    %dma_start3A_34 = tpu.memref_slice %arg2[%dma_start3A, %multiple_of3A] : memref<100050x1024xf32, #tpu.memory_space<hbm>> -> memref<100050x128xf32, #tpu.memory_space<hbm>>
    tpu.enqueue_indirect_dma source(%dma_start3A_34 : memref<100050x128xf32, #tpu.memory_space<hbm>>) target(%arg6 : memref<64x128xf32, #tpu.memory_space<vmem>>) offsets(%arg5 : memref<64xi32, #tpu.memory_space<vmem>>) semaphore(%arg8 : memref<!tpu.dma_semaphore, #tpu.memory_space<semaphore_mem>>)
    %dma_wait3A = arith.constant 0 : i32
    %dma_wait3A_35 = tpu.memref_slice %arg2[%dma_wait3A, %multiple_of3A] : memref<100050x1024xf32, #tpu.memory_space<hbm>> -> memref<100050x128xf32, #tpu.memory_space<hbm>>
    tpu.wait_indirect_dma semaphore(%arg8 : memref<!tpu.dma_semaphore, #tpu.memory_space<semaphore_mem>>) src(%dma_wait3A_35 : memref<100050x128xf32, #tpu.memory_space<hbm>>) dst(%arg6 : memref<64x128xf32, #tpu.memory_space<vmem>>)
    %iota3A = tpu.iota {dimensions = array<i32: 0>} : vector<16xi32>
    %broadcast_in_dim3A = arith.constant 0.000000e+00 : f32
    %broadcast_in_dim3A_36 = vector.broadcast %broadcast_in_dim3A : f32 to vector<16xf32>
    %eq3A_37 = arith.constant 0 : i32
    %eq3A_38 = vector.broadcast %eq3A_37 : i32 to vector<16xi32>
    %eq3A_39 = arith.cmpi eq, %iota3A, %eq3A_38 : vector<16xi32>
    %add3A_40 = arith.constant 0 : i32
    %add3A_41 = arith.addi %mul3A_33, %add3A_40 : i32
    %get3A = arith.constant 0 : i32
    %get3A_42 = arith.index_cast %get3A : i32 to index
    %get3A_43 = arith.index_cast %add3A_41 : i32 to index
    %get3A_44 = tpu.vector_load %arg6[%get3A_42, %get3A_43] {strides = array<i32>} : memref<64x128xf32, #tpu.memory_space<vmem>>, vector<1x16xf32>,
    %get3A_45 = vector.shape_cast %get3A_44 : vector<1x16xf32> to vector<16xf32>
    %select_n3A_46 = arith.select %eq3A_39, %get3A_45, %broadcast_in_dim3A_36 : vector<16xi1>, vector<16xf32>
    %eq3A_47 = arith.constant 1 : i32
    %eq3A_48 = vector.broadcast %eq3A_47 : i32 to vector<16xi32>
    %eq3A_49 = arith.cmpi eq, %iota3A, %eq3A_48 : vector<16xi32>
    %add3A_50 = arith.constant 0 : i32
    %add3A_51 = arith.addi %mul3A_33, %add3A_50 : i32
    %get3A_52 = arith.constant 1 : i32
    %get3A_53 = arith.index_cast %get3A_52 : i32 to index
    %get3A_54 = arith.index_cast %add3A_51 : i32 to index
    %get3A_55 = tpu.vector_load %arg6[%get3A_53, %get3A_54] {strides = array<i32>} : memref<64x128xf32, #tpu.memory_space<vmem>>, vector<1x16xf32>,
    %get3A_56 = vector.shape_cast %get3A_55 : vector<1x16xf32> to vector<16xf32>
    %select_n3A_57 = arith.select %eq3A_49, %get3A_56, %select_n3A_46 : vector<16xi1>, vector<16xf32>
    %eq3A_58 = arith.constant 2 : i32
    %eq3A_59 = vector.broadcast %eq3A_58 : i32 to vector<16xi32>
    %eq3A_60 = arith.cmpi eq, %iota3A, %eq3A_59 : vector<16xi32>
    %add3A_61 = arith.constant 0 : i32
    %add3A_62 = arith.addi %mul3A_33, %add3A_61 : i32
    %get3A_63 = arith.constant 2 : i32
    %get3A_64 = arith.index_cast %get3A_63 : i32 to index
    %get3A_65 = arith.index_cast %add3A_62 : i32 to index
    %get3A_66 = tpu.vector_load %arg6[%get3A_64, %get3A_65] {strides = array<i32>} : memref<64x128xf32, #tpu.memory_space<vmem>>, vector<1x16xf32>,
    %get3A_67 = vector.shape_cast %get3A_66 : vector<1x16xf32> to vector<16xf32>
    %select_n3A_68 = arith.select %eq3A_60, %get3A_67, %select_n3A_57 : vector<16xi1>, vector<16xf32>
    %eq3A_69 = arith.constant 3 : i32
    %eq3A_70 = vector.broadcast %eq3A_69 : i32 to vector<16xi32>
    %eq3A_71 = arith.cmpi eq, %iota3A, %eq3A_70 : vector<16xi32>
    %add3A_72 = arith.constant 0 : i32
    %add3A_73 = arith.addi %mul3A_33, %add3A_72 : i32
    %get3A_74 = arith.constant 3 : i32
    %get3A_75 = arith.index_cast %get3A_74 : i32 to index
    %get3A_76 = arith.index_cast %add3A_73 : i32 to index
    %get3A_77 = tpu.vector_load %arg6[%get3A_75, %get3A_76] {strides = array<i32>} : memref<64x128xf32, #tpu.memory_space<vmem>>, vector<1x16xf32>,
    %get3A_78 = vector.shape_cast %get3A_77 : vector<1x16xf32> to vector<16xf32>
    %select_n3A_79 = arith.select %eq3A_71, %get3A_78, %select_n3A_68 : vector<16xi1>, vector<16xf32>
    %eq3A_80 = arith.constant 4 : i32
    %eq3A_81 = vector.broadcast %eq3A_80 : i32 to vector<16xi32>
    %eq3A_82 = arith.cmpi eq, %iota3A, %eq3A_81 : vector<16xi32>
    %add3A_83 = arith.constant 0 : i32
    %add3A_84 = arith.addi %mul3A_33, %add3A_83 : i32
    %get3A_85 = arith.constant 4 : i32
    %get3A_86 = arith.index_cast %get3A_85 : i32 to index
    %get3A_87 = arith.index_cast %add3A_84 : i32 to index
    %get3A_88 = tpu.vector_load %arg6[%get3A_86, %get3A_87] {strides = array<i32>} : memref<64x128xf32, #tpu.memory_space<vmem>>, vector<1x16xf32>,
    %get3A_89 = vector.shape_cast %get3A_88 : vector<1x16xf32> to vector<16xf32>
    %select_n3A_90 = arith.select %eq3A_82, %get3A_89, %select_n3A_79 : vector<16xi1>, vector<16xf32>
    %eq3A_91 = arith.constant 5 : i32
    %eq3A_92 = vector.broadcast %eq3A_91 : i32 to vector<16xi32>
    %eq3A_93 = arith.cmpi eq, %iota3A, %eq3A_92 : vector<16xi32>
    %add3A_94 = arith.constant 0 : i32
    %add3A_95 = arith.addi %mul3A_33, %add3A_94 : i32
    %get3A_96 = arith.constant 5 : i32
    %get3A_97 = arith.index_cast %get3A_96 : i32 to index
    %get3A_98 = arith.index_cast %add3A_95 : i32 to index
    %get3A_99 = tpu.vector_load %arg6[%get3A_97, %get3A_98] {strides = array<i32>} : memref<64x128xf32, #tpu.memory_space<vmem>>, vector<1x16xf32>,
    %get3A_100 = vector.shape_cast %get3A_99 : vector<1x16xf32> to vector<16xf32>
    %select_n3A_101 = arith.select %eq3A_93, %get3A_100, %select_n3A_90 : vector<16xi1>, vector<16xf32>
    %eq3A_102 = arith.constant 6 : i32
    %eq3A_103 = vector.broadcast %eq3A_102 : i32 to vector<16xi32>
    %eq3A_104 = arith.cmpi eq, %iota3A, %eq3A_103 : vector<16xi32>
    %add3A_105 = arith.constant 0 : i32
    %add3A_106 = arith.addi %mul3A_33, %add3A_105 : i32
    %get3A_107 = arith.constant 6 : i32
    %get3A_108 = arith.index_cast %get3A_107 : i32 to index
    %get3A_109 = arith.index_cast %add3A_106 : i32 to index
    %get3A_110 = tpu.vector_load %arg6[%get3A_108, %get3A_109] {strides = array<i32>} : memref<64x128xf32, #tpu.memory_space<vmem>>, vector<1x16xf32>,
    %get3A_111 = vector.shape_cast %get3A_110 : vector<1x16xf32> to vector<16xf32>
    %select_n3A_112 = arith.select %eq3A_104, %get3A_111, %select_n3A_101 : vector<16xi1>, vector<16xf32>
    %eq3A_113 = arith.constant 7 : i32
    %eq3A_114 = vector.broadcast %eq3A_113 : i32 to vector<16xi32>
    %eq3A_115 = arith.cmpi eq, %iota3A, %eq3A_114 : vector<16xi32>
    %add3A_116 = arith.constant 0 : i32
    %add3A_117 = arith.addi %mul3A_33, %add3A_116 : i32
    %get3A_118 = arith.constant 7 : i32
    %get3A_119 = arith.index_cast %get3A_118 : i32 to index
    %get3A_120 = arith.index_cast %add3A_117 : i32 to index
    %get3A_121 = tpu.vector_load %arg6[%get3A_119, %get3A_120] {strides = array<i32>} : memref<64x128xf32, #tpu.memory_space<vmem>>, vector<1x16xf32>,
    %get3A_122 = vector.shape_cast %get3A_121 : vector<1x16xf32> to vector<16xf32>
    %select_n3A_123 = arith.select %eq3A_115, %get3A_122, %select_n3A_112 : vector<16xi1>, vector<16xf32>
    %eq3A_124 = arith.constant 8 : i32
    %eq3A_125 = vector.broadcast %eq3A_124 : i32 to vector<16xi32>
    %eq3A_126 = arith.cmpi eq, %iota3A, %eq3A_125 : vector<16xi32>
    %add3A_127 = arith.constant 0 : i32
    %add3A_128 = arith.addi %mul3A_33, %add3A_127 : i32
    %get3A_129 = arith.constant 8 : i32
    %get3A_130 = arith.index_cast %get3A_129 : i32 to index
    %get3A_131 = arith.index_cast %add3A_128 : i32 to index
    %get3A_132 = tpu.vector_load %arg6[%get3A_130, %get3A_131] {strides = array<i32>} : memref<64x128xf32, #tpu.memory_space<vmem>>, vector<1x16xf32>,
    %get3A_133 = vector.shape_cast %get3A_132 : vector<1x16xf32> to vector<16xf32>
    %select_n3A_134 = arith.select %eq3A_126, %get3A_133, %select_n3A_123 : vector<16xi1>, vector<16xf32>
    %eq3A_135 = arith.constant 9 : i32
    %eq3A_136 = vector.broadcast %eq3A_135 : i32 to vector<16xi32>
    %eq3A_137 = arith.cmpi eq, %iota3A, %eq3A_136 : vector<16xi32>
    %add3A_138 = arith.constant 0 : i32
    %add3A_139 = arith.addi %mul3A_33, %add3A_138 : i32
    %get3A_140 = arith.constant 9 : i32
    %get3A_141 = arith.index_cast %get3A_140 : i32 to index
    %get3A_142 = arith.index_cast %add3A_139 : i32 to index
    %get3A_143 = tpu.vector_load %arg6[%get3A_141, %get3A_142] {strides = array<i32>} : memref<64x128xf32, #tpu.memory_space<vmem>>, vector<1x16xf32>,
    %get3A_144 = vector.shape_cast %get3A_143 : vector<1x16xf32> to vector<16xf32>
    %select_n3A_145 = arith.select %eq3A_137, %get3A_144, %select_n3A_134 : vector<16xi1>, vector<16xf32>
    %eq3A_146 = arith.constant 10 : i32
    %eq3A_147 = vector.broadcast %eq3A_146 : i32 to vector<16xi32>
    %eq3A_148 = arith.cmpi eq, %iota3A, %eq3A_147 : vector<16xi32>
    %add3A_149 = arith.constant 0 : i32
    %add3A_150 = arith.addi %mul3A_33, %add3A_149 : i32
    %get3A_151 = arith.constant 10 : i32
    %get3A_152 = arith.index_cast %get3A_151 : i32 to index
    %get3A_153 = arith.index_cast %add3A_150 : i32 to index
    %get3A_154 = tpu.vector_load %arg6[%get3A_152, %get3A_153] {strides = array<i32>} : memref<64x128xf32, #tpu.memory_space<vmem>>, vector<1x16xf32>,
    %get3A_155 = vector.shape_cast %get3A_154 : vector<1x16xf32> to vector<16xf32>
    %select_n3A_156 = arith.select %eq3A_148, %get3A_155, %select_n3A_145 : vector<16xi1>, vector<16xf32>
    %eq3A_157 = arith.constant 11 : i32
    %eq3A_158 = vector.broadcast %eq3A_157 : i32 to vector<16xi32>
    %eq3A_159 = arith.cmpi eq, %iota3A, %eq3A_158 : vector<16xi32>
    %add3A_160 = arith.constant 0 : i32
    %add3A_161 = arith.addi %mul3A_33, %add3A_160 : i32
    %get3A_162 = arith.constant 11 : i32
    %get3A_163 = arith.index_cast %get3A_162 : i32 to index
    %get3A_164 = arith.index_cast %add3A_161 : i32 to index
    %get3A_165 = tpu.vector_load %arg6[%get3A_163, %get3A_164] {strides = array<i32>} : memref<64x128xf32, #tpu.memory_space<vmem>>, vector<1x16xf32>,
    %get3A_166 = vector.shape_cast %get3A_165 : vector<1x16xf32> to vector<16xf32>
    %select_n3A_167 = arith.select %eq3A_159, %get3A_166, %select_n3A_156 : vector<16xi1>, vector<16xf32>
    %eq3A_168 = arith.constant 12 : i32
    %eq3A_169 = vector.broadcast %eq3A_168 : i32 to vector<16xi32>
    %eq3A_170 = arith.cmpi eq, %iota3A, %eq3A_169 : vector<16xi32>
    %add3A_171 = arith.constant 0 : i32
    %add3A_172 = arith.addi %mul3A_33, %add3A_171 : i32
    %get3A_173 = arith.constant 12 : i32
    %get3A_174 = arith.index_cast %get3A_173 : i32 to index
    %get3A_175 = arith.index_cast %add3A_172 : i32 to index
    %get3A_176 = tpu.vector_load %arg6[%get3A_174, %get3A_175] {strides = array<i32>} : memref<64x128xf32, #tpu.memory_space<vmem>>, vector<1x16xf32>,
    %get3A_177 = vector.shape_cast %get3A_176 : vector<1x16xf32> to vector<16xf32>
    %select_n3A_178 = arith.select %eq3A_170, %get3A_177, %select_n3A_167 : vector<16xi1>, vector<16xf32>
    %eq3A_179 = arith.constant 13 : i32
    %eq3A_180 = vector.broadcast %eq3A_179 : i32 to vector<16xi32>
    %eq3A_181 = arith.cmpi eq, %iota3A, %eq3A_180 : vector<16xi32>
    %add3A_182 = arith.constant 0 : i32
    %add3A_183 = arith.addi %mul3A_33, %add3A_182 : i32
    %get3A_184 = arith.constant 13 : i32
    %get3A_185 = arith.index_cast %get3A_184 : i32 to index
    %get3A_186 = arith.index_cast %add3A_183 : i32 to index
    %get3A_187 = tpu.vector_load %arg6[%get3A_185, %get3A_186] {strides = array<i32>} : memref<64x128xf32, #tpu.memory_space<vmem>>, vector<1x16xf32>,
    %get3A_188 = vector.shape_cast %get3A_187 : vector<1x16xf32> to vector<16xf32>
    %select_n3A_189 = arith.select %eq3A_181, %get3A_188, %select_n3A_178 : vector<16xi1>, vector<16xf32>
    %eq3A_190 = arith.constant 14 : i32
    %eq3A_191 = vector.broadcast %eq3A_190 : i32 to vector<16xi32>
    %eq3A_192 = arith.cmpi eq, %iota3A, %eq3A_191 : vector<16xi32>
    %add3A_193 = arith.constant 0 : i32
    %add3A_194 = arith.addi %mul3A_33, %add3A_193 : i32
    %get3A_195 = arith.constant 14 : i32
    %get3A_196 = arith.index_cast %get3A_195 : i32 to index
    %get3A_197 = arith.index_cast %add3A_194 : i32 to index
    %get3A_198 = tpu.vector_load %arg6[%get3A_196, %get3A_197] {strides = array<i32>} : memref<64x128xf32, #tpu.memory_space<vmem>>, vector<1x16xf32>,
    %get3A_199 = vector.shape_cast %get3A_198 : vector<1x16xf32> to vector<16xf32>
    %select_n3A_200 = arith.select %eq3A_192, %get3A_199, %select_n3A_189 : vector<16xi1>, vector<16xf32>
    %eq3A_201 = arith.constant 15 : i32
    %eq3A_202 = vector.broadcast %eq3A_201 : i32 to vector<16xi32>
    %eq3A_203 = arith.cmpi eq, %iota3A, %eq3A_202 : vector<16xi32>
    %add3A_204 = arith.constant 0 : i32
    %add3A_205 = arith.addi %mul3A_33, %add3A_204 : i32
    %get3A_206 = arith.constant 15 : i32
    %get3A_207 = arith.index_cast %get3A_206 : i32 to index
    %get3A_208 = arith.index_cast %add3A_205 : i32 to index
    %get3A_209 = tpu.vector_load %arg6[%get3A_207, %get3A_208] {strides = array<i32>} : memref<64x128xf32, #tpu.memory_space<vmem>>, vector<1x16xf32>,
    %get3A_210 = vector.shape_cast %get3A_209 : vector<1x16xf32> to vector<16xf32>
    %select_n3A_211 = arith.select %eq3A_203, %get3A_210, %select_n3A_200 : vector<16xi1>, vector<16xf32>
    %swap3A = arith.constant 0 : index
    %swap3A_212 = tpu.vector_load %arg7[%swap3A] {strides = array<i32>} : memref<64xf32, #tpu.memory_space<vmem>>, vector<16xf32>,
    %swap3A_213 = vector.shape_cast %swap3A_212 : vector<16xf32> to vector<16xf32>
    %swap3A_214 = vector.shape_cast %select_n3A_211 : vector<16xf32> to vector<16xf32>
    tpu.vector_store %arg7[%swap3A], %swap3A_214 {strides = array<i32>} : memref<64xf32, #tpu.memory_space<vmem>>, vector<16xf32>,
    %iota3A_215 = tpu.iota {dimensions = array<i32: 0>} : vector<16xi32>
    %broadcast_in_dim3A_216 = arith.constant 0.000000e+00 : f32
    %broadcast_in_dim3A_217 = vector.broadcast %broadcast_in_dim3A_216 : f32 to vector<16xf32>
    %eq3A_218 = arith.constant 0 : i32
    %eq3A_219 = vector.broadcast %eq3A_218 : i32 to vector<16xi32>
    %eq3A_220 = arith.cmpi eq, %iota3A_215, %eq3A_219 : vector<16xi32>
    %add3A_221 = arith.constant 16 : i32
    %add3A_222 = arith.addi %mul3A_33, %add3A_221 : i32
    %get3A_223 = arith.constant 16 : i32
    %get3A_224 = arith.index_cast %get3A_223 : i32 to index
    %get3A_225 = arith.index_cast %add3A_222 : i32 to index
    %get3A_226 = tpu.vector_load %arg6[%get3A_224, %get3A_225] {strides = array<i32>} : memref<64x128xf32, #tpu.memory_space<vmem>>, vector<1x16xf32>,
    %get3A_227 = vector.shape_cast %get3A_226 : vector<1x16xf32> to vector<16xf32>
    %select_n3A_228 = arith.select %eq3A_220, %get3A_227, %broadcast_in_dim3A_217 : vector<16xi1>, vector<16xf32>
    %eq3A_229 = arith.constant 1 : i32
    %eq3A_230 = vector.broadcast %eq3A_229 : i32 to vector<16xi32>
    %eq3A_231 = arith.cmpi eq, %iota3A_215, %eq3A_230 : vector<16xi32>
    %add3A_232 = arith.constant 16 : i32
    %add3A_233 = arith.addi %mul3A_33, %add3A_232 : i32
    %get3A_234 = arith.constant 17 : i32
    %get3A_235 = arith.index_cast %get3A_234 : i32 to index
    %get3A_236 = arith.index_cast %add3A_233 : i32 to index
    %get3A_237 = tpu.vector_load %arg6[%get3A_235, %get3A_236] {strides = array<i32>} : memref<64x128xf32, #tpu.memory_space<vmem>>, vector<1x16xf32>,
    %get3A_238 = vector.shape_cast %get3A_237 : vector<1x16xf32> to vector<16xf32>
    %select_n3A_239 = arith.select %eq3A_231, %get3A_238, %select_n3A_228 : vector<16xi1>, vector<16xf32>
    %eq3A_240 = arith.constant 2 : i32
    %eq3A_241 = vector.broadcast %eq3A_240 : i32 to vector<16xi32>
    %eq3A_242 = arith.cmpi eq, %iota3A_215, %eq3A_241 : vector<16xi32>
    %add3A_243 = arith.constant 16 : i32
    %add3A_244 = arith.addi %mul3A_33, %add3A_243 : i32
    %get3A_245 = arith.constant 18 : i32
    %get3A_246 = arith.index_cast %get3A_245 : i32 to index
    %get3A_247 = arith.index_cast %add3A_244 : i32 to index
    %get3A_248 = tpu.vector_load %arg6[%get3A_246, %get3A_247] {strides = array<i32>} : memref<64x128xf32, #tpu.memory_space<vmem>>, vector<1x16xf32>,
    %get3A_249 = vector.shape_cast %get3A_248 : vector<1x16xf32> to vector<16xf32>
    %select_n3A_250 = arith.select %eq3A_242, %get3A_249, %select_n3A_239 : vector<16xi1>, vector<16xf32>
    %eq3A_251 = arith.constant 3 : i32
    %eq3A_252 = vector.broadcast %eq3A_251 : i32 to vector<16xi32>
    %eq3A_253 = arith.cmpi eq, %iota3A_215, %eq3A_252 : vector<16xi32>
    %add3A_254 = arith.constant 16 : i32
    %add3A_255 = arith.addi %mul3A_33, %add3A_254 : i32
    %get3A_256 = arith.constant 19 : i32
    %get3A_257 = arith.index_cast %get3A_256 : i32 to index
    %get3A_258 = arith.index_cast %add3A_255 : i32 to index
    %get3A_259 = tpu.vector_load %arg6[%get3A_257, %get3A_258] {strides = array<i32>} : memref<64x128xf32, #tpu.memory_space<vmem>>, vector<1x16xf32>,
    %get3A_260 = vector.shape_cast %get3A_259 : vector<1x16xf32> to vector<16xf32>
    %select_n3A_261 = arith.select %eq3A_253, %get3A_260, %select_n3A_250 : vector<16xi1>, vector<16xf32>
    %eq3A_262 = arith.constant 4 : i32
    %eq3A_263 = vector.broadcast %eq3A_262 : i32 to vector<16xi32>
    %eq3A_264 = arith.cmpi eq, %iota3A_215, %eq3A_263 : vector<16xi32>
    %add3A_265 = arith.constant 16 : i32
    %add3A_266 = arith.addi %mul3A_33, %add3A_265 : i32
    %get3A_267 = arith.constant 20 : i32
    %get3A_268 = arith.index_cast %get3A_267 : i32 to index
    %get3A_269 = arith.index_cast %add3A_266 : i32 to index
    %get3A_270 = tpu.vector_load %arg6[%get3A_268, %get3A_269] {strides = array<i32>} : memref<64x128xf32, #tpu.memory_space<vmem>>, vector<1x16xf32>,
    %get3A_271 = vector.shape_cast %get3A_270 : vector<1x16xf32> to vector<16xf32>
    %select_n3A_272 = arith.select %eq3A_264, %get3A_271, %select_n3A_261 : vector<16xi1>, vector<16xf32>
    %eq3A_273 = arith.constant 5 : i32
    %eq3A_274 = vector.broadcast %eq3A_273 : i32 to vector<16xi32>
    %eq3A_275 = arith.cmpi eq, %iota3A_215, %eq3A_274 : vector<16xi32>
    %add3A_276 = arith.constant 16 : i32
    %add3A_277 = arith.addi %mul3A_33, %add3A_276 : i32
    %get3A_278 = arith.constant 21 : i32
    %get3A_279 = arith.index_cast %get3A_278 : i32 to index
    %get3A_280 = arith.index_cast %add3A_277 : i32 to index
    %get3A_281 = tpu.vector_load %arg6[%get3A_279, %get3A_280] {strides = array<i32>} : memref<64x128xf32, #tpu.memory_space<vmem>>, vector<1x16xf32>,
    %get3A_282 = vector.shape_cast %get3A_281 : vector<1x16xf32> to vector<16xf32>
    %select_n3A_283 = arith.select %eq3A_275, %get3A_282, %select_n3A_272 : vector<16xi1>, vector<16xf32>
    %eq3A_284 = arith.constant 6 : i32
    %eq3A_285 = vector.broadcast %eq3A_284 : i32 to vector<16xi32>
    %eq3A_286 = arith.cmpi eq, %iota3A_215, %eq3A_285 : vector<16xi32>
    %add3A_287 = arith.constant 16 : i32
    %add3A_288 = arith.addi %mul3A_33, %add3A_287 : i32
    %get3A_289 = arith.constant 22 : i32
    %get3A_290 = arith.index_cast %get3A_289 : i32 to index
    %get3A_291 = arith.index_cast %add3A_288 : i32 to index
    %get3A_292 = tpu.vector_load %arg6[%get3A_290, %get3A_291] {strides = array<i32>} : memref<64x128xf32, #tpu.memory_space<vmem>>, vector<1x16xf32>,
    %get3A_293 = vector.shape_cast %get3A_292 : vector<1x16xf32> to vector<16xf32>
    %select_n3A_294 = arith.select %eq3A_286, %get3A_293, %select_n3A_283 : vector<16xi1>, vector<16xf32>
    %eq3A_295 = arith.constant 7 : i32
    %eq3A_296 = vector.broadcast %eq3A_295 : i32 to vector<16xi32>
    %eq3A_297 = arith.cmpi eq, %iota3A_215, %eq3A_296 : vector<16xi32>
    %add3A_298 = arith.constant 16 : i32
    %add3A_299 = arith.addi %mul3A_33, %add3A_298 : i32
    %get3A_300 = arith.constant 23 : i32
    %get3A_301 = arith.index_cast %get3A_300 : i32 to index
    %get3A_302 = arith.index_cast %add3A_299 : i32 to index
    %get3A_303 = tpu.vector_load %arg6[%get3A_301, %get3A_302] {strides = array<i32>} : memref<64x128xf32, #tpu.memory_space<vmem>>, vector<1x16xf32>,
    %get3A_304 = vector.shape_cast %get3A_303 : vector<1x16xf32> to vector<16xf32>
    %select_n3A_305 = arith.select %eq3A_297, %get3A_304, %select_n3A_294 : vector<16xi1>, vector<16xf32>
    %eq3A_306 = arith.constant 8 : i32
    %eq3A_307 = vector.broadcast %eq3A_306 : i32 to vector<16xi32>
    %eq3A_308 = arith.cmpi eq, %iota3A_215, %eq3A_307 : vector<16xi32>
    %add3A_309 = arith.constant 16 : i32
    %add3A_310 = arith.addi %mul3A_33, %add3A_309 : i32
    %get3A_311 = arith.constant 24 : i32
    %get3A_312 = arith.index_cast %get3A_311 : i32 to index
    %get3A_313 = arith.index_cast %add3A_310 : i32 to index
    %get3A_314 = tpu.vector_load %arg6[%get3A_312, %get3A_313] {strides = array<i32>} : memref<64x128xf32, #tpu.memory_space<vmem>>, vector<1x16xf32>,
    %get3A_315 = vector.shape_cast %get3A_314 : vector<1x16xf32> to vector<16xf32>
    %select_n3A_316 = arith.select %eq3A_308, %get3A_315, %select_n3A_305 : vector<16xi1>, vector<16xf32>
    %eq3A_317 = arith.constant 9 : i32
    %eq3A_318 = vector.broadcast %eq3A_317 : i32 to vector<16xi32>
    %eq3A_319 = arith.cmpi eq, %iota3A_215, %eq3A_318 : vector<16xi32>
    %add3A_320 = arith.constant 16 : i32
    %add3A_321 = arith.addi %mul3A_33, %add3A_320 : i32
    %get3A_322 = arith.constant 25 : i32
    %get3A_323 = arith.index_cast %get3A_322 : i32 to index
    %get3A_324 = arith.index_cast %add3A_321 : i32 to index
    %get3A_325 = tpu.vector_load %arg6[%get3A_323, %get3A_324] {strides = array<i32>} : memref<64x128xf32, #tpu.memory_space<vmem>>, vector<1x16xf32>,
    %get3A_326 = vector.shape_cast %get3A_325 : vector<1x16xf32> to vector<16xf32>
    %select_n3A_327 = arith.select %eq3A_319, %get3A_326, %select_n3A_316 : vector<16xi1>, vector<16xf32>
    %eq3A_328 = arith.constant 10 : i32
    %eq3A_329 = vector.broadcast %eq3A_328 : i32 to vector<16xi32>
    %eq3A_330 = arith.cmpi eq, %iota3A_215, %eq3A_329 : vector<16xi32>
    %add3A_331 = arith.constant 16 : i32
    %add3A_332 = arith.addi %mul3A_33, %add3A_331 : i32
    %get3A_333 = arith.constant 26 : i32
    %get3A_334 = arith.index_cast %get3A_333 : i32 to index
    %get3A_335 = arith.index_cast %add3A_332 : i32 to index
    %get3A_336 = tpu.vector_load %arg6[%get3A_334, %get3A_335] {strides = array<i32>} : memref<64x128xf32, #tpu.memory_space<vmem>>, vector<1x16xf32>,
    %get3A_337 = vector.shape_cast %get3A_336 : vector<1x16xf32> to vector<16xf32>
    %select_n3A_338 = arith.select %eq3A_330, %get3A_337, %select_n3A_327 : vector<16xi1>, vector<16xf32>
    %eq3A_339 = arith.constant 11 : i32
    %eq3A_340 = vector.broadcast %eq3A_339 : i32 to vector<16xi32>
    %eq3A_341 = arith.cmpi eq, %iota3A_215, %eq3A_340 : vector<16xi32>
    %add3A_342 = arith.constant 16 : i32
    %add3A_343 = arith.addi %mul3A_33, %add3A_342 : i32
    %get3A_344 = arith.constant 27 : i32
    %get3A_345 = arith.index_cast %get3A_344 : i32 to index
    %get3A_346 = arith.index_cast %add3A_343 : i32 to index
    %get3A_347 = tpu.vector_load %arg6[%get3A_345, %get3A_346] {strides = array<i32>} : memref<64x128xf32, #tpu.memory_space<vmem>>, vector<1x16xf32>,
    %get3A_348 = vector.shape_cast %get3A_347 : vector<1x16xf32> to vector<16xf32>
    %select_n3A_349 = arith.select %eq3A_341, %get3A_348, %select_n3A_338 : vector<16xi1>, vector<16xf32>
    %eq3A_350 = arith.constant 12 : i32
    %eq3A_351 = vector.broadcast %eq3A_350 : i32 to vector<16xi32>
    %eq3A_352 = arith.cmpi eq, %iota3A_215, %eq3A_351 : vector<16xi32>
    %add3A_353 = arith.constant 16 : i32
    %add3A_354 = arith.addi %mul3A_33, %add3A_353 : i32
    %get3A_355 = arith.constant 28 : i32
    %get3A_356 = arith.index_cast %get3A_355 : i32 to index
    %get3A_357 = arith.index_cast %add3A_354 : i32 to index
    %get3A_358 = tpu.vector_load %arg6[%get3A_356, %get3A_357] {strides = array<i32>} : memref<64x128xf32, #tpu.memory_space<vmem>>, vector<1x16xf32>,
    %get3A_359 = vector.shape_cast %get3A_358 : vector<1x16xf32> to vector<16xf32>
    %select_n3A_360 = arith.select %eq3A_352, %get3A_359, %select_n3A_349 : vector<16xi1>, vector<16xf32>
    %eq3A_361 = arith.constant 13 : i32
    %eq3A_362 = vector.broadcast %eq3A_361 : i32 to vector<16xi32>
    %eq3A_363 = arith.cmpi eq, %iota3A_215, %eq3A_362 : vector<16xi32>
    %add3A_364 = arith.constant 16 : i32
    %add3A_365 = arith.addi %mul3A_33, %add3A_364 : i32
    %get3A_366 = arith.constant 29 : i32
    %get3A_367 = arith.index_cast %get3A_366 : i32 to index
    %get3A_368 = arith.index_cast %add3A_365 : i32 to index
    %get3A_369 = tpu.vector_load %arg6[%get3A_367, %get3A_368] {strides = array<i32>} : memref<64x128xf32, #tpu.memory_space<vmem>>, vector<1x16xf32>,
    %get3A_370 = vector.shape_cast %get3A_369 : vector<1x16xf32> to vector<16xf32>
    %select_n3A_371 = arith.select %eq3A_363, %get3A_370, %select_n3A_360 : vector<16xi1>, vector<16xf32>
    %eq3A_372 = arith.constant 14 : i32
    %eq3A_373 = vector.broadcast %eq3A_372 : i32 to vector<16xi32>
    %eq3A_374 = arith.cmpi eq, %iota3A_215, %eq3A_373 : vector<16xi32>
    %add3A_375 = arith.constant 16 : i32
    %add3A_376 = arith.addi %mul3A_33, %add3A_375 : i32
    %get3A_377 = arith.constant 30 : i32
    %get3A_378 = arith.index_cast %get3A_377 : i32 to index
    %get3A_379 = arith.index_cast %add3A_376 : i32 to index
    %get3A_380 = tpu.vector_load %arg6[%get3A_378, %get3A_379] {strides = array<i32>} : memref<64x128xf32, #tpu.memory_space<vmem>>, vector<1x16xf32>,
    %get3A_381 = vector.shape_cast %get3A_380 : vector<1x16xf32> to vector<16xf32>
    %select_n3A_382 = arith.select %eq3A_374, %get3A_381, %select_n3A_371 : vector<16xi1>, vector<16xf32>
    %eq3A_383 = arith.constant 15 : i32
    %eq3A_384 = vector.broadcast %eq3A_383 : i32 to vector<16xi32>
    %eq3A_385 = arith.cmpi eq, %iota3A_215, %eq3A_384 : vector<16xi32>
    %add3A_386 = arith.constant 16 : i32
    %add3A_387 = arith.addi %mul3A_33, %add3A_386 : i32
    %get3A_388 = arith.constant 31 : i32
    %get3A_389 = arith.index_cast %get3A_388 : i32 to index
    %get3A_390 = arith.index_cast %add3A_387 : i32 to index
    %get3A_391 = tpu.vector_load %arg6[%get3A_389, %get3A_390] {strides = array<i32>} : memref<64x128xf32, #tpu.memory_space<vmem>>, vector<1x16xf32>,
    %get3A_392 = vector.shape_cast %get3A_391 : vector<1x16xf32> to vector<16xf32>
    %select_n3A_393 = arith.select %eq3A_385, %get3A_392, %select_n3A_382 : vector<16xi1>, vector<16xf32>
    %swap3A_394 = arith.constant 16 : index
    %swap3A_395 = tpu.vector_load %arg7[%swap3A_394] {strides = array<i32>} : memref<64xf32, #tpu.memory_space<vmem>>, vector<16xf32>,
    %swap3A_396 = vector.shape_cast %swap3A_395 : vector<16xf32> to vector<16xf32>
    %swap3A_397 = vector.shape_cast %select_n3A_393 : vector<16xf32> to vector<16xf32>
    tpu.vector_store %arg7[%swap3A_394], %swap3A_397 {strides = array<i32>} : memref<64xf32, #tpu.memory_space<vmem>>, vector<16xf32>,
    %iota3A_398 = tpu.iota {dimensions = array<i32: 0>} : vector<16xi32>
    %broadcast_in_dim3A_399 = arith.constant 0.000000e+00 : f32
    %broadcast_in_dim3A_400 = vector.broadcast %broadcast_in_dim3A_399 : f32 to vector<16xf32>
    %eq3A_401 = arith.constant 0 : i32
    %eq3A_402 = vector.broadcast %eq3A_401 : i32 to vector<16xi32>
    %eq3A_403 = arith.cmpi eq, %iota3A_398, %eq3A_402 : vector<16xi32>
    %add3A_404 = arith.constant 32 : i32
    %add3A_405 = arith.addi %mul3A_33, %add3A_404 : i32
    %get3A_406 = arith.constant 32 : i32
    %get3A_407 = arith.index_cast %get3A_406 : i32 to index
    %get3A_408 = arith.index_cast %add3A_405 : i32 to index
    %get3A_409 = tpu.vector_load %arg6[%get3A_407, %get3A_408] {strides = array<i32>} : memref<64x128xf32, #tpu.memory_space<vmem>>, vector<1x16xf32>,
    %get3A_410 = vector.shape_cast %get3A_409 : vector<1x16xf32> to vector<16xf32>
    %select_n3A_411 = arith.select %eq3A_403, %get3A_410, %broadcast_in_dim3A_400 : vector<16xi1>, vector<16xf32>
    %eq3A_412 = arith.constant 1 : i32
    %eq3A_413 = vector.broadcast %eq3A_412 : i32 to vector<16xi32>
    %eq3A_414 = arith.cmpi eq, %iota3A_398, %eq3A_413 : vector<16xi32>
    %add3A_415 = arith.constant 32 : i32
    %add3A_416 = arith.addi %mul3A_33, %add3A_415 : i32
    %get3A_417 = arith.constant 33 : i32
    %get3A_418 = arith.index_cast %get3A_417 : i32 to index
    %get3A_419 = arith.index_cast %add3A_416 : i32 to index
    %get3A_420 = tpu.vector_load %arg6[%get3A_418, %get3A_419] {strides = array<i32>} : memref<64x128xf32, #tpu.memory_space<vmem>>, vector<1x16xf32>,
    %get3A_421 = vector.shape_cast %get3A_420 : vector<1x16xf32> to vector<16xf32>
    %select_n3A_422 = arith.select %eq3A_414, %get3A_421, %select_n3A_411 : vector<16xi1>, vector<16xf32>
    %eq3A_423 = arith.constant 2 : i32
    %eq3A_424 = vector.broadcast %eq3A_423 : i32 to vector<16xi32>
    %eq3A_425 = arith.cmpi eq, %iota3A_398, %eq3A_424 : vector<16xi32>
    %add3A_426 = arith.constant 32 : i32
    %add3A_427 = arith.addi %mul3A_33, %add3A_426 : i32
    %get3A_428 = arith.constant 34 : i32
    %get3A_429 = arith.index_cast %get3A_428 : i32 to index
    %get3A_430 = arith.index_cast %add3A_427 : i32 to index
    %get3A_431 = tpu.vector_load %arg6[%get3A_429, %get3A_430] {strides = array<i32>} : memref<64x128xf32, #tpu.memory_space<vmem>>, vector<1x16xf32>,
    %get3A_432 = vector.shape_cast %get3A_431 : vector<1x16xf32> to vector<16xf32>
    %select_n3A_433 = arith.select %eq3A_425, %get3A_432, %select_n3A_422 : vector<16xi1>, vector<16xf32>
    %eq3A_434 = arith.constant 3 : i32
    %eq3A_435 = vector.broadcast %eq3A_434 : i32 to vector<16xi32>
    %eq3A_436 = arith.cmpi eq, %iota3A_398, %eq3A_435 : vector<16xi32>
    %add3A_437 = arith.constant 32 : i32
    %add3A_438 = arith.addi %mul3A_33, %add3A_437 : i32
    %get3A_439 = arith.constant 35 : i32
    %get3A_440 = arith.index_cast %get3A_439 : i32 to index
    %get3A_441 = arith.index_cast %add3A_438 : i32 to index
    %get3A_442 = tpu.vector_load %arg6[%get3A_440, %get3A_441] {strides = array<i32>} : memref<64x128xf32, #tpu.memory_space<vmem>>, vector<1x16xf32>,
    %get3A_443 = vector.shape_cast %get3A_442 : vector<1x16xf32> to vector<16xf32>
    %select_n3A_444 = arith.select %eq3A_436, %get3A_443, %select_n3A_433 : vector<16xi1>, vector<16xf32>
    %eq3A_445 = arith.constant 4 : i32
    %eq3A_446 = vector.broadcast %eq3A_445 : i32 to vector<16xi32>
    %eq3A_447 = arith.cmpi eq, %iota3A_398, %eq3A_446 : vector<16xi32>
    %add3A_448 = arith.constant 32 : i32
    %add3A_449 = arith.addi %mul3A_33, %add3A_448 : i32
    %get3A_450 = arith.constant 36 : i32
    %get3A_451 = arith.index_cast %get3A_450 : i32 to index
    %get3A_452 = arith.index_cast %add3A_449 : i32 to index
    %get3A_453 = tpu.vector_load %arg6[%get3A_451, %get3A_452] {strides = array<i32>} : memref<64x128xf32, #tpu.memory_space<vmem>>, vector<1x16xf32>,
    %get3A_454 = vector.shape_cast %get3A_453 : vector<1x16xf32> to vector<16xf32>
    %select_n3A_455 = arith.select %eq3A_447, %get3A_454, %select_n3A_444 : vector<16xi1>, vector<16xf32>
    %eq3A_456 = arith.constant 5 : i32
    %eq3A_457 = vector.broadcast %eq3A_456 : i32 to vector<16xi32>
    %eq3A_458 = arith.cmpi eq, %iota3A_398, %eq3A_457 : vector<16xi32>
    %add3A_459 = arith.constant 32 : i32
    %add3A_460 = arith.addi %mul3A_33, %add3A_459 : i32
    %get3A_461 = arith.constant 37 : i32
    %get3A_462 = arith.index_cast %get3A_461 : i32 to index
    %get3A_463 = arith.index_cast %add3A_460 : i32 to index
    %get3A_464 = tpu.vector_load %arg6[%get3A_462, %get3A_463] {strides = array<i32>} : memref<64x128xf32, #tpu.memory_space<vmem>>, vector<1x16xf32>,
    %get3A_465 = vector.shape_cast %get3A_464 : vector<1x16xf32> to vector<16xf32>
    %select_n3A_466 = arith.select %eq3A_458, %get3A_465, %select_n3A_455 : vector<16xi1>, vector<16xf32>
    %eq3A_467 = arith.constant 6 : i32
    %eq3A_468 = vector.broadcast %eq3A_467 : i32 to vector<16xi32>
    %eq3A_469 = arith.cmpi eq, %iota3A_398, %eq3A_468 : vector<16xi32>
    %add3A_470 = arith.constant 32 : i32
    %add3A_471 = arith.addi %mul3A_33, %add3A_470 : i32
    %get3A_472 = arith.constant 38 : i32
    %get3A_473 = arith.index_cast %get3A_472 : i32 to index
    %get3A_474 = arith.index_cast %add3A_471 : i32 to index
    %get3A_475 = tpu.vector_load %arg6[%get3A_473, %get3A_474] {strides = array<i32>} : memref<64x128xf32, #tpu.memory_space<vmem>>, vector<1x16xf32>,
    %get3A_476 = vector.shape_cast %get3A_475 : vector<1x16xf32> to vector<16xf32>
    %select_n3A_477 = arith.select %eq3A_469, %get3A_476, %select_n3A_466 : vector<16xi1>, vector<16xf32>
    %eq3A_478 = arith.constant 7 : i32
    %eq3A_479 = vector.broadcast %eq3A_478 : i32 to vector<16xi32>
    %eq3A_480 = arith.cmpi eq, %iota3A_398, %eq3A_479 : vector<16xi32>
    %add3A_481 = arith.constant 32 : i32
    %add3A_482 = arith.addi %mul3A_33, %add3A_481 : i32
    %get3A_483 = arith.constant 39 : i32
    %get3A_484 = arith.index_cast %get3A_483 : i32 to index
    %get3A_485 = arith.index_cast %add3A_482 : i32 to index
    %get3A_486 = tpu.vector_load %arg6[%get3A_484, %get3A_485] {strides = array<i32>} : memref<64x128xf32, #tpu.memory_space<vmem>>, vector<1x16xf32>,
    %get3A_487 = vector.shape_cast %get3A_486 : vector<1x16xf32> to vector<16xf32>
    %select_n3A_488 = arith.select %eq3A_480, %get3A_487, %select_n3A_477 : vector<16xi1>, vector<16xf32>
    %eq3A_489 = arith.constant 8 : i32
    %eq3A_490 = vector.broadcast %eq3A_489 : i32 to vector<16xi32>
    %eq3A_491 = arith.cmpi eq, %iota3A_398, %eq3A_490 : vector<16xi32>
    %add3A_492 = arith.constant 32 : i32
    %add3A_493 = arith.addi %mul3A_33, %add3A_492 : i32
    %get3A_494 = arith.constant 40 : i32
    %get3A_495 = arith.index_cast %get3A_494 : i32 to index
    %get3A_496 = arith.index_cast %add3A_493 : i32 to index
    %get3A_497 = tpu.vector_load %arg6[%get3A_495, %get3A_496] {strides = array<i32>} : memref<64x128xf32, #tpu.memory_space<vmem>>, vector<1x16xf32>,
    %get3A_498 = vector.shape_cast %get3A_497 : vector<1x16xf32> to vector<16xf32>
    %select_n3A_499 = arith.select %eq3A_491, %get3A_498, %select_n3A_488 : vector<16xi1>, vector<16xf32>
    %eq3A_500 = arith.constant 9 : i32
    %eq3A_501 = vector.broadcast %eq3A_500 : i32 to vector<16xi32>
    %eq3A_502 = arith.cmpi eq, %iota3A_398, %eq3A_501 : vector<16xi32>
    %add3A_503 = arith.constant 32 : i32
    %add3A_504 = arith.addi %mul3A_33, %add3A_503 : i32
    %get3A_505 = arith.constant 41 : i32
    %get3A_506 = arith.index_cast %get3A_505 : i32 to index
    %get3A_507 = arith.index_cast %add3A_504 : i32 to index
    %get3A_508 = tpu.vector_load %arg6[%get3A_506, %get3A_507] {strides = array<i32>} : memref<64x128xf32, #tpu.memory_space<vmem>>, vector<1x16xf32>,
    %get3A_509 = vector.shape_cast %get3A_508 : vector<1x16xf32> to vector<16xf32>
    %select_n3A_510 = arith.select %eq3A_502, %get3A_509, %select_n3A_499 : vector<16xi1>, vector<16xf32>
    %eq3A_511 = arith.constant 10 : i32
    %eq3A_512 = vector.broadcast %eq3A_511 : i32 to vector<16xi32>
    %eq3A_513 = arith.cmpi eq, %iota3A_398, %eq3A_512 : vector<16xi32>
    %add3A_514 = arith.constant 32 : i32
    %add3A_515 = arith.addi %mul3A_33, %add3A_514 : i32
    %get3A_516 = arith.constant 42 : i32
    %get3A_517 = arith.index_cast %get3A_516 : i32 to index
    %get3A_518 = arith.index_cast %add3A_515 : i32 to index
    %get3A_519 = tpu.vector_load %arg6[%get3A_517, %get3A_518] {strides = array<i32>} : memref<64x128xf32, #tpu.memory_space<vmem>>, vector<1x16xf32>,
    %get3A_520 = vector.shape_cast %get3A_519 : vector<1x16xf32> to vector<16xf32>
    %select_n3A_521 = arith.select %eq3A_513, %get3A_520, %select_n3A_510 : vector<16xi1>, vector<16xf32>
    %eq3A_522 = arith.constant 11 : i32
    %eq3A_523 = vector.broadcast %eq3A_522 : i32 to vector<16xi32>
    %eq3A_524 = arith.cmpi eq, %iota3A_398, %eq3A_523 : vector<16xi32>
    %add3A_525 = arith.constant 32 : i32
    %add3A_526 = arith.addi %mul3A_33, %add3A_525 : i32
    %get3A_527 = arith.constant 43 : i32
    %get3A_528 = arith.index_cast %get3A_527 : i32 to index
    %get3A_529 = arith.index_cast %add3A_526 : i32 to index
    %get3A_530 = tpu.vector_load %arg6[%get3A_528, %get3A_529] {strides = array<i32>} : memref<64x128xf32, #tpu.memory_space<vmem>>, vector<1x16xf32>,
    %get3A_531 = vector.shape_cast %get3A_530 : vector<1x16xf32> to vector<16xf32>
    %select_n3A_532 = arith.select %eq3A_524, %get3A_531, %select_n3A_521 : vector<16xi1>, vector<16xf32>
    %eq3A_533 = arith.constant 12 : i32
    %eq3A_534 = vector.broadcast %eq3A_533 : i32 to vector<16xi32>
    %eq3A_535 = arith.cmpi eq, %iota3A_398, %eq3A_534 : vector<16xi32>
    %add3A_536 = arith.constant 32 : i32
    %add3A_537 = arith.addi %mul3A_33, %add3A_536 : i32
    %get3A_538 = arith.constant 44 : i32
    %get3A_539 = arith.index_cast %get3A_538 : i32 to index
    %get3A_540 = arith.index_cast %add3A_537 : i32 to index
    %get3A_541 = tpu.vector_load %arg6[%get3A_539, %get3A_540] {strides = array<i32>} : memref<64x128xf32, #tpu.memory_space<vmem>>, vector<1x16xf32>,
    %get3A_542 = vector.shape_cast %get3A_541 : vector<1x16xf32> to vector<16xf32>
    %select_n3A_543 = arith.select %eq3A_535, %get3A_542, %select_n3A_532 : vector<16xi1>, vector<16xf32>
    %eq3A_544 = arith.constant 13 : i32
    %eq3A_545 = vector.broadcast %eq3A_544 : i32 to vector<16xi32>
    %eq3A_546 = arith.cmpi eq, %iota3A_398, %eq3A_545 : vector<16xi32>
    %add3A_547 = arith.constant 32 : i32
    %add3A_548 = arith.addi %mul3A_33, %add3A_547 : i32
    %get3A_549 = arith.constant 45 : i32
    %get3A_550 = arith.index_cast %get3A_549 : i32 to index
    %get3A_551 = arith.index_cast %add3A_548 : i32 to index
    %get3A_552 = tpu.vector_load %arg6[%get3A_550, %get3A_551] {strides = array<i32>} : memref<64x128xf32, #tpu.memory_space<vmem>>, vector<1x16xf32>,
    %get3A_553 = vector.shape_cast %get3A_552 : vector<1x16xf32> to vector<16xf32>
    %select_n3A_554 = arith.select %eq3A_546, %get3A_553, %select_n3A_543 : vector<16xi1>, vector<16xf32>
    %eq3A_555 = arith.constant 14 : i32
    %eq3A_556 = vector.broadcast %eq3A_555 : i32 to vector<16xi32>
    %eq3A_557 = arith.cmpi eq, %iota3A_398, %eq3A_556 : vector<16xi32>
    %add3A_558 = arith.constant 32 : i32
    %add3A_559 = arith.addi %mul3A_33, %add3A_558 : i32
    %get3A_560 = arith.constant 46 : i32
    %get3A_561 = arith.index_cast %get3A_560 : i32 to index
    %get3A_562 = arith.index_cast %add3A_559 : i32 to index
    %get3A_563 = tpu.vector_load %arg6[%get3A_561, %get3A_562] {strides = array<i32>} : memref<64x128xf32, #tpu.memory_space<vmem>>, vector<1x16xf32>,
    %get3A_564 = vector.shape_cast %get3A_563 : vector<1x16xf32> to vector<16xf32>
    %select_n3A_565 = arith.select %eq3A_557, %get3A_564, %select_n3A_554 : vector<16xi1>, vector<16xf32>
    %eq3A_566 = arith.constant 15 : i32
    %eq3A_567 = vector.broadcast %eq3A_566 : i32 to vector<16xi32>
    %eq3A_568 = arith.cmpi eq, %iota3A_398, %eq3A_567 : vector<16xi32>
    %add3A_569 = arith.constant 32 : i32
    %add3A_570 = arith.addi %mul3A_33, %add3A_569 : i32
    %get3A_571 = arith.constant 47 : i32
    %get3A_572 = arith.index_cast %get3A_571 : i32 to index
    %get3A_573 = arith.index_cast %add3A_570 : i32 to index
    %get3A_574 = tpu.vector_load %arg6[%get3A_572, %get3A_573] {strides = array<i32>} : memref<64x128xf32, #tpu.memory_space<vmem>>, vector<1x16xf32>,
    %get3A_575 = vector.shape_cast %get3A_574 : vector<1x16xf32> to vector<16xf32>
    %select_n3A_576 = arith.select %eq3A_568, %get3A_575, %select_n3A_565 : vector<16xi1>, vector<16xf32>
    %swap3A_577 = arith.constant 32 : index
    %swap3A_578 = tpu.vector_load %arg7[%swap3A_577] {strides = array<i32>} : memref<64xf32, #tpu.memory_space<vmem>>, vector<16xf32>,
    %swap3A_579 = vector.shape_cast %swap3A_578 : vector<16xf32> to vector<16xf32>
    %swap3A_580 = vector.shape_cast %select_n3A_576 : vector<16xf32> to vector<16xf32>
    tpu.vector_store %arg7[%swap3A_577], %swap3A_580 {strides = array<i32>} : memref<64xf32, #tpu.memory_space<vmem>>, vector<16xf32>,
    %iota3A_581 = tpu.iota {dimensions = array<i32: 0>} : vector<16xi32>
    %broadcast_in_dim3A_582 = arith.constant 0.000000e+00 : f32
    %broadcast_in_dim3A_583 = vector.broadcast %broadcast_in_dim3A_582 : f32 to vector<16xf32>
    %eq3A_584 = arith.constant 0 : i32
    %eq3A_585 = vector.broadcast %eq3A_584 : i32 to vector<16xi32>
    %eq3A_586 = arith.cmpi eq, %iota3A_581, %eq3A_585 : vector<16xi32>
    %add3A_587 = arith.constant 48 : i32
    %add3A_588 = arith.addi %mul3A_33, %add3A_587 : i32
    %get3A_589 = arith.constant 48 : i32
    %get3A_590 = arith.index_cast %get3A_589 : i32 to index
    %get3A_591 = arith.index_cast %add3A_588 : i32 to index
    %get3A_592 = tpu.vector_load %arg6[%get3A_590, %get3A_591] {strides = array<i32>} : memref<64x128xf32, #tpu.memory_space<vmem>>, vector<1x16xf32>,
    %get3A_593 = vector.shape_cast %get3A_592 : vector<1x16xf32> to vector<16xf32>
    %select_n3A_594 = arith.select %eq3A_586, %get3A_593, %broadcast_in_dim3A_583 : vector<16xi1>, vector<16xf32>
    %eq3A_595 = arith.constant 1 : i32
    %eq3A_596 = vector.broadcast %eq3A_595 : i32 to vector<16xi32>
    %eq3A_597 = arith.cmpi eq, %iota3A_581, %eq3A_596 : vector<16xi32>
    %add3A_598 = arith.constant 48 : i32
    %add3A_599 = arith.addi %mul3A_33, %add3A_598 : i32
    %get3A_600 = arith.constant 49 : i32
    %get3A_601 = arith.index_cast %get3A_600 : i32 to index
    %get3A_602 = arith.index_cast %add3A_599 : i32 to index
    %get3A_603 = tpu.vector_load %arg6[%get3A_601, %get3A_602] {strides = array<i32>} : memref<64x128xf32, #tpu.memory_space<vmem>>, vector<1x16xf32>,
    %get3A_604 = vector.shape_cast %get3A_603 : vector<1x16xf32> to vector<16xf32>
    %select_n3A_605 = arith.select %eq3A_597, %get3A_604, %select_n3A_594 : vector<16xi1>, vector<16xf32>
    %eq3A_606 = arith.constant 2 : i32
    %eq3A_607 = vector.broadcast %eq3A_606 : i32 to vector<16xi32>
    %eq3A_608 = arith.cmpi eq, %iota3A_581, %eq3A_607 : vector<16xi32>
    %add3A_609 = arith.constant 48 : i32
    %add3A_610 = arith.addi %mul3A_33, %add3A_609 : i32
    %get3A_611 = arith.constant 50 : i32
    %get3A_612 = arith.index_cast %get3A_611 : i32 to index
    %get3A_613 = arith.index_cast %add3A_610 : i32 to index
    %get3A_614 = tpu.vector_load %arg6[%get3A_612, %get3A_613] {strides = array<i32>} : memref<64x128xf32, #tpu.memory_space<vmem>>, vector<1x16xf32>,
    %get3A_615 = vector.shape_cast %get3A_614 : vector<1x16xf32> to vector<16xf32>
    %select_n3A_616 = arith.select %eq3A_608, %get3A_615, %select_n3A_605 : vector<16xi1>, vector<16xf32>
    %eq3A_617 = arith.constant 3 : i32
    %eq3A_618 = vector.broadcast %eq3A_617 : i32 to vector<16xi32>
    %eq3A_619 = arith.cmpi eq, %iota3A_581, %eq3A_618 : vector<16xi32>
    %add3A_620 = arith.constant 48 : i32
    %add3A_621 = arith.addi %mul3A_33, %add3A_620 : i32
    %get3A_622 = arith.constant 51 : i32
    %get3A_623 = arith.index_cast %get3A_622 : i32 to index
    %get3A_624 = arith.index_cast %add3A_621 : i32 to index
    %get3A_625 = tpu.vector_load %arg6[%get3A_623, %get3A_624] {strides = array<i32>} : memref<64x128xf32, #tpu.memory_space<vmem>>, vector<1x16xf32>,
    %get3A_626 = vector.shape_cast %get3A_625 : vector<1x16xf32> to vector<16xf32>
    %select_n3A_627 = arith.select %eq3A_619, %get3A_626, %select_n3A_616 : vector<16xi1>, vector<16xf32>
    %eq3A_628 = arith.constant 4 : i32
    %eq3A_629 = vector.broadcast %eq3A_628 : i32 to vector<16xi32>
    %eq3A_630 = arith.cmpi eq, %iota3A_581, %eq3A_629 : vector<16xi32>
    %add3A_631 = arith.constant 48 : i32
    %add3A_632 = arith.addi %mul3A_33, %add3A_631 : i32
    %get3A_633 = arith.constant 52 : i32
    %get3A_634 = arith.index_cast %get3A_633 : i32 to index
    %get3A_635 = arith.index_cast %add3A_632 : i32 to index
    %get3A_636 = tpu.vector_load %arg6[%get3A_634, %get3A_635] {strides = array<i32>} : memref<64x128xf32, #tpu.memory_space<vmem>>, vector<1x16xf32>,
    %get3A_637 = vector.shape_cast %get3A_636 : vector<1x16xf32> to vector<16xf32>
    %select_n3A_638 = arith.select %eq3A_630, %get3A_637, %select_n3A_627 : vector<16xi1>, vector<16xf32>
    %eq3A_639 = arith.constant 5 : i32
    %eq3A_640 = vector.broadcast %eq3A_639 : i32 to vector<16xi32>
    %eq3A_641 = arith.cmpi eq, %iota3A_581, %eq3A_640 : vector<16xi32>
    %add3A_642 = arith.constant 48 : i32
    %add3A_643 = arith.addi %mul3A_33, %add3A_642 : i32
    %get3A_644 = arith.constant 53 : i32
    %get3A_645 = arith.index_cast %get3A_644 : i32 to index
    %get3A_646 = arith.index_cast %add3A_643 : i32 to index
    %get3A_647 = tpu.vector_load %arg6[%get3A_645, %get3A_646] {strides = array<i32>} : memref<64x128xf32, #tpu.memory_space<vmem>>, vector<1x16xf32>,
    %get3A_648 = vector.shape_cast %get3A_647 : vector<1x16xf32> to vector<16xf32>
    %select_n3A_649 = arith.select %eq3A_641, %get3A_648, %select_n3A_638 : vector<16xi1>, vector<16xf32>
    %eq3A_650 = arith.constant 6 : i32
    %eq3A_651 = vector.broadcast %eq3A_650 : i32 to vector<16xi32>
    %eq3A_652 = arith.cmpi eq, %iota3A_581, %eq3A_651 : vector<16xi32>
    %add3A_653 = arith.constant 48 : i32
    %add3A_654 = arith.addi %mul3A_33, %add3A_653 : i32
    %get3A_655 = arith.constant 54 : i32
    %get3A_656 = arith.index_cast %get3A_655 : i32 to index
    %get3A_657 = arith.index_cast %add3A_654 : i32 to index
    %get3A_658 = tpu.vector_load %arg6[%get3A_656, %get3A_657] {strides = array<i32>} : memref<64x128xf32, #tpu.memory_space<vmem>>, vector<1x16xf32>,
    %get3A_659 = vector.shape_cast %get3A_658 : vector<1x16xf32> to vector<16xf32>
    %select_n3A_660 = arith.select %eq3A_652, %get3A_659, %select_n3A_649 : vector<16xi1>, vector<16xf32>
    %eq3A_661 = arith.constant 7 : i32
    %eq3A_662 = vector.broadcast %eq3A_661 : i32 to vector<16xi32>
    %eq3A_663 = arith.cmpi eq, %iota3A_581, %eq3A_662 : vector<16xi32>
    %add3A_664 = arith.constant 48 : i32
    %add3A_665 = arith.addi %mul3A_33, %add3A_664 : i32
    %get3A_666 = arith.constant 55 : i32
    %get3A_667 = arith.index_cast %get3A_666 : i32 to index
    %get3A_668 = arith.index_cast %add3A_665 : i32 to index
    %get3A_669 = tpu.vector_load %arg6[%get3A_667, %get3A_668] {strides = array<i32>} : memref<64x128xf32, #tpu.memory_space<vmem>>, vector<1x16xf32>,
    %get3A_670 = vector.shape_cast %get3A_669 : vector<1x16xf32> to vector<16xf32>
    %select_n3A_671 = arith.select %eq3A_663, %get3A_670, %select_n3A_660 : vector<16xi1>, vector<16xf32>
    %eq3A_672 = arith.constant 8 : i32
    %eq3A_673 = vector.broadcast %eq3A_672 : i32 to vector<16xi32>
    %eq3A_674 = arith.cmpi eq, %iota3A_581, %eq3A_673 : vector<16xi32>
    %add3A_675 = arith.constant 48 : i32
    %add3A_676 = arith.addi %mul3A_33, %add3A_675 : i32
    %get3A_677 = arith.constant 56 : i32
    %get3A_678 = arith.index_cast %get3A_677 : i32 to index
    %get3A_679 = arith.index_cast %add3A_676 : i32 to index
    %get3A_680 = tpu.vector_load %arg6[%get3A_678, %get3A_679] {strides = array<i32>} : memref<64x128xf32, #tpu.memory_space<vmem>>, vector<1x16xf32>,
    %get3A_681 = vector.shape_cast %get3A_680 : vector<1x16xf32> to vector<16xf32>
    %select_n3A_682 = arith.select %eq3A_674, %get3A_681, %select_n3A_671 : vector<16xi1>, vector<16xf32>
    %eq3A_683 = arith.constant 9 : i32
    %eq3A_684 = vector.broadcast %eq3A_683 : i32 to vector<16xi32>
    %eq3A_685 = arith.cmpi eq, %iota3A_581, %eq3A_684 : vector<16xi32>
    %add3A_686 = arith.constant 48 : i32
    %add3A_687 = arith.addi %mul3A_33, %add3A_686 : i32
    %get3A_688 = arith.constant 57 : i32
    %get3A_689 = arith.index_cast %get3A_688 : i32 to index
    %get3A_690 = arith.index_cast %add3A_687 : i32 to index
    %get3A_691 = tpu.vector_load %arg6[%get3A_689, %get3A_690] {strides = array<i32>} : memref<64x128xf32, #tpu.memory_space<vmem>>, vector<1x16xf32>,
    %get3A_692 = vector.shape_cast %get3A_691 : vector<1x16xf32> to vector<16xf32>
    %select_n3A_693 = arith.select %eq3A_685, %get3A_692, %select_n3A_682 : vector<16xi1>, vector<16xf32>
    %eq3A_694 = arith.constant 10 : i32
    %eq3A_695 = vector.broadcast %eq3A_694 : i32 to vector<16xi32>
    %eq3A_696 = arith.cmpi eq, %iota3A_581, %eq3A_695 : vector<16xi32>
    %add3A_697 = arith.constant 48 : i32
    %add3A_698 = arith.addi %mul3A_33, %add3A_697 : i32
    %get3A_699 = arith.constant 58 : i32
    %get3A_700 = arith.index_cast %get3A_699 : i32 to index
    %get3A_701 = arith.index_cast %add3A_698 : i32 to index
    %get3A_702 = tpu.vector_load %arg6[%get3A_700, %get3A_701] {strides = array<i32>} : memref<64x128xf32, #tpu.memory_space<vmem>>, vector<1x16xf32>,
    %get3A_703 = vector.shape_cast %get3A_702 : vector<1x16xf32> to vector<16xf32>
    %select_n3A_704 = arith.select %eq3A_696, %get3A_703, %select_n3A_693 : vector<16xi1>, vector<16xf32>
    %eq3A_705 = arith.constant 11 : i32
    %eq3A_706 = vector.broadcast %eq3A_705 : i32 to vector<16xi32>
    %eq3A_707 = arith.cmpi eq, %iota3A_581, %eq3A_706 : vector<16xi32>
    %add3A_708 = arith.constant 48 : i32
    %add3A_709 = arith.addi %mul3A_33, %add3A_708 : i32
    %get3A_710 = arith.constant 59 : i32
    %get3A_711 = arith.index_cast %get3A_710 : i32 to index
    %get3A_712 = arith.index_cast %add3A_709 : i32 to index
    %get3A_713 = tpu.vector_load %arg6[%get3A_711, %get3A_712] {strides = array<i32>} : memref<64x128xf32, #tpu.memory_space<vmem>>, vector<1x16xf32>,
    %get3A_714 = vector.shape_cast %get3A_713 : vector<1x16xf32> to vector<16xf32>
    %select_n3A_715 = arith.select %eq3A_707, %get3A_714, %select_n3A_704 : vector<16xi1>, vector<16xf32>
    %eq3A_716 = arith.constant 12 : i32
    %eq3A_717 = vector.broadcast %eq3A_716 : i32 to vector<16xi32>
    %eq3A_718 = arith.cmpi eq, %iota3A_581, %eq3A_717 : vector<16xi32>
    %add3A_719 = arith.constant 48 : i32
    %add3A_720 = arith.addi %mul3A_33, %add3A_719 : i32
    %get3A_721 = arith.constant 60 : i32
    %get3A_722 = arith.index_cast %get3A_721 : i32 to index
    %get3A_723 = arith.index_cast %add3A_720 : i32 to index
    %get3A_724 = tpu.vector_load %arg6[%get3A_722, %get3A_723] {strides = array<i32>} : memref<64x128xf32, #tpu.memory_space<vmem>>, vector<1x16xf32>,
    %get3A_725 = vector.shape_cast %get3A_724 : vector<1x16xf32> to vector<16xf32>
    %select_n3A_726 = arith.select %eq3A_718, %get3A_725, %select_n3A_715 : vector<16xi1>, vector<16xf32>
    %eq3A_727 = arith.constant 13 : i32
    %eq3A_728 = vector.broadcast %eq3A_727 : i32 to vector<16xi32>
    %eq3A_729 = arith.cmpi eq, %iota3A_581, %eq3A_728 : vector<16xi32>
    %add3A_730 = arith.constant 48 : i32
    %add3A_731 = arith.addi %mul3A_33, %add3A_730 : i32
    %get3A_732 = arith.constant 61 : i32
    %get3A_733 = arith.index_cast %get3A_732 : i32 to index
    %get3A_734 = arith.index_cast %add3A_731 : i32 to index
    %get3A_735 = tpu.vector_load %arg6[%get3A_733, %get3A_734] {strides = array<i32>} : memref<64x128xf32, #tpu.memory_space<vmem>>, vector<1x16xf32>,
    %get3A_736 = vector.shape_cast %get3A_735 : vector<1x16xf32> to vector<16xf32>
    %select_n3A_737 = arith.select %eq3A_729, %get3A_736, %select_n3A_726 : vector<16xi1>, vector<16xf32>
    %eq3A_738 = arith.constant 14 : i32
    %eq3A_739 = vector.broadcast %eq3A_738 : i32 to vector<16xi32>
    %eq3A_740 = arith.cmpi eq, %iota3A_581, %eq3A_739 : vector<16xi32>
    %add3A_741 = arith.constant 48 : i32
    %add3A_742 = arith.addi %mul3A_33, %add3A_741 : i32
    %get3A_743 = arith.constant 62 : i32
    %get3A_744 = arith.index_cast %get3A_743 : i32 to index
    %get3A_745 = arith.index_cast %add3A_742 : i32 to index
    %get3A_746 = tpu.vector_load %arg6[%get3A_744, %get3A_745] {strides = array<i32>} : memref<64x128xf32, #tpu.memory_space<vmem>>, vector<1x16xf32>,
    %get3A_747 = vector.shape_cast %get3A_746 : vector<1x16xf32> to vector<16xf32>
    %select_n3A_748 = arith.select %eq3A_740, %get3A_747, %select_n3A_737 : vector<16xi1>, vector<16xf32>
    %eq3A_749 = arith.constant 15 : i32
    %eq3A_750 = vector.broadcast %eq3A_749 : i32 to vector<16xi32>
    %eq3A_751 = arith.cmpi eq, %iota3A_581, %eq3A_750 : vector<16xi32>
    %add3A_752 = arith.constant 48 : i32
    %add3A_753 = arith.addi %mul3A_33, %add3A_752 : i32
    %get3A_754 = arith.constant 63 : i32
    %get3A_755 = arith.index_cast %get3A_754 : i32 to index
    %get3A_756 = arith.index_cast %add3A_753 : i32 to index
    %get3A_757 = tpu.vector_load %arg6[%get3A_755, %get3A_756] {strides = array<i32>} : memref<64x128xf32, #tpu.memory_space<vmem>>, vector<1x16xf32>,
    %get3A_758 = vector.shape_cast %get3A_757 : vector<1x16xf32> to vector<16xf32>
    %select_n3A_759 = arith.select %eq3A_751, %get3A_758, %select_n3A_748 : vector<16xi1>, vector<16xf32>
    %swap3A_760 = arith.constant 48 : index
    %swap3A_761 = tpu.vector_load %arg7[%swap3A_760] {strides = array<i32>} : memref<64xf32, #tpu.memory_space<vmem>>, vector<16xf32>,
    %swap3A_762 = vector.shape_cast %swap3A_761 : vector<16xf32> to vector<16xf32>
    %swap3A_763 = vector.shape_cast %select_n3A_759 : vector<16xf32> to vector<16xf32>
    tpu.vector_store %arg7[%swap3A_760], %swap3A_763 {strides = array<i32>} : memref<64xf32, #tpu.memory_space<vmem>>, vector<16xf32>,
    "tpu.region"() ({
      %run_scoped3A = tpu.sem_alloc : memref<!tpu.dma_semaphore, #tpu.memory_space<semaphore_mem>>
      %dma_start3A_764 = tpu.memref_slice %arg4[%mul3A_0] : memref<1024xf32, #tpu.memory_space<hbm>> -> memref<64xf32, #tpu.memory_space<hbm>>
      %dma_start3A_765 = tpu.memref_slice %arg4[%mul3A_0] : memref<1024xf32, #tpu.memory_space<hbm>> -> memref<64xf32, #tpu.memory_space<hbm>>
      tpu.enqueue_dma source(%arg7 : memref<64xf32, #tpu.memory_space<vmem>>) target(%dma_start3A_765 : memref<64xf32, #tpu.memory_space<hbm>>) target_semaphore(%run_scoped3A : memref<!tpu.dma_semaphore, #tpu.memory_space<semaphore_mem>>)
      %dma_wait3A_766 = tpu.memref_slice %arg4[%mul3A_0] : memref<1024xf32, #tpu.memory_space<hbm>> -> memref<64xf32, #tpu.memory_space<hbm>>
      %dma_wait3A_767 = tpu.memref_slice %arg4[%mul3A_0] : memref<1024xf32, #tpu.memory_space<hbm>> -> memref<64xf32, #tpu.memory_space<hbm>>
      tpu.wait_dma2 semaphore(%run_scoped3A : memref<!tpu.dma_semaphore, #tpu.memory_space<semaphore_mem>>) src(%arg7 : memref<64xf32, #tpu.memory_space<vmem>>) dst(%dma_wait3A_767 : memref<64xf32, #tpu.memory_space<hbm>>)
      tpu.yield
    }) : () -> ()
    return
  }
}

module attributes {stable_mosaic.version = 14 : i64} {
  func.func @_combine_body(%arg0: memref<1024xf32, #tpu.memory_space<vmem>>, %arg1: memref<1024xi32, #tpu.memory_space<vmem>>, %arg2: memref<1024xf32, #tpu.memory_space<vmem>>, %arg3: memref<1x1xf32, #tpu.memory_space<smem>>) attributes {dimension_semantics = [], scalar_prefetch = 0 : i64, scratch_operands = 0 : i64, tpu.core_type = #tpu.core_type<tc>} {
    %get3A = arith.constant 0 : index
    %get3A_0 = vector.load %arg0[%get3A] : memref<1024xf32, #tpu.memory_space<vmem>>, vector<1024xf32>
    %get3A_1 = arith.constant 0 : index
    %get3A_2 = vector.load %arg1[%get3A_1] : memref<1024xi32, #tpu.memory_space<vmem>>, vector<1024xi32>
    %get3A_3 = arith.constant dense<0> : vector<1024xi32>
    %get3A_4 = arith.cmpi ne, %get3A_2, %get3A_3 : vector<1024xi32>
    %get3A_5 = arith.constant 0 : index
    %get3A_6 = vector.load %arg2[%get3A_5] : memref<1024xf32, #tpu.memory_space<vmem>>, vector<1024xf32>
    %jit3A = arith.constant 0.000000e+00 : f32
    %broadcast_in_dim3A = vector.broadcast %jit3A : f32 to vector<1024xf32>
    %select_n3A = arith.select %get3A_4, %broadcast_in_dim3A, %get3A_6 : vector<1024xi1>, vector<1024xf32>
    %add3A = arith.addf %get3A_0, %select_n3A : vector<1024xf32>
    %add3A_7 = arith.constant 1.401300e-45 : f32
    %add3A_8 = vector.broadcast %add3A_7 : f32 to vector<1024xf32>
    %add3A_9 = arith.addf %add3A, %add3A_8 : vector<1024xf32>
    %log3A = math.log %add3A_9 : vector<1024xf32>
    %reduce_sum3A = vector.shape_cast %log3A : vector<1024xf32> to vector<1x1024xf32>
    %reduce_sum3A_10 = arith.constant dense<0.000000e+00> : vector<1xf32>
    %reduce_sum3A_11 = vector.multi_reduction <add>, %reduce_sum3A, %reduce_sum3A_10 [1] : vector<1x1024xf32> to vector<1xf32>
    %reduce_sum3A_12 = vector.shape_cast %reduce_sum3A_11 : vector<1xf32> to vector<1x1xf32>
    %reduce_sum3A_13 = vector.extract %reduce_sum3A_12[0, 0] : f32 from vector<1x1xf32>
    %neg3A = arith.constant 0.000000e+00 : f32
    %neg3A_14 = arith.subf %neg3A, %reduce_sum3A_13 : f32
    %div3A = arith.constant 1.024000e+03 : f32
    %div3A_15 = arith.divf %neg3A_14, %div3A : f32
    %swap3A = arith.constant 0 : index
    %swap3A_16 = arith.constant 0 : index
    %swap3A_17 = memref.load %arg3[%swap3A, %swap3A_16] : memref<1x1xf32, #tpu.memory_space<smem>>
    memref.store %div3A_15, %arg3[%swap3A, %swap3A_16] : memref<1x1xf32, #tpu.memory_space<smem>>
    return
  }
}

module attributes {stable_mosaic.version = 14 : i64} {
  func.func @_tail_body(%arg0: i32, %arg1: memref<80x1024xf32, #tpu.memory_space<vmem>>, %arg2: memref<50x1024xi32, #tpu.memory_space<vmem>>, %arg3: memref<1024xi32, #tpu.memory_space<vmem>>, %arg4: memref<1024xf32, #tpu.memory_space<vmem>>) attributes {dimension_semantics = [#tpu.dimension_semantics<arbitrary>], iteration_bounds = array<i64: 1>, scalar_prefetch = 0 : i64, scratch_operands = 0 : i64, tpu.core_type = #tpu.core_type<tc>, window_params = [{transform_indices = @transform_0, window_bounds = array<i64: 80, 1024>}, {pipeline_mode = #tpu.pipeline_mode<synchronous>, transform_indices = @transform_1, window_bounds = array<i64: 50, 1024>}, {pipeline_mode = #tpu.pipeline_mode<synchronous>, transform_indices = @transform_2, window_bounds = array<i64: 1024>}, {pipeline_mode = #tpu.pipeline_mode<synchronous>, transform_indices = @transform_3, window_bounds = array<i64: 1024>}]} {
    %get3A = arith.constant 0 : index
    %get3A_0 = arith.constant 0 : index
    %get3A_1 = vector.load %arg2[%get3A, %get3A_0] : memref<50x1024xi32, #tpu.memory_space<vmem>>, vector<50x1024xi32>
    %get3A_2 = arith.constant 0 : index
    %get3A_3 = vector.load %arg3[%get3A_2] : memref<1024xi32, #tpu.memory_space<vmem>>, vector<1024xi32>
    %broadcast_in_dim3A = vector.shape_cast %get3A_3 : vector<1024xi32> to vector<1x1024xi32>
    %eq3A = vector.broadcast %broadcast_in_dim3A : vector<1x1024xi32> to vector<50x1024xi32>
    %eq3A_4 = arith.cmpi eq, %get3A_1, %eq3A : vector<50x1024xi32>
    %get3A_5 = arith.constant 0 : index
    %get3A_6 = arith.constant 0 : index
    %get3A_7 = vector.load %arg1[%get3A_5, %get3A_6] : memref<80x1024xf32, #tpu.memory_space<vmem>>, vector<50x1024xf32>
    %jit3A = arith.constant 0.000000e+00 : f32
    %broadcast_in_dim3A_8 = vector.broadcast %jit3A : f32 to vector<50x1024xf32>
    %select_n3A = arith.select %eq3A_4, %get3A_7, %broadcast_in_dim3A_8 : vector<50x1024xi1>, vector<50x1024xf32>
    %reduce_sum3A = arith.constant dense<0.000000e+00> : vector<1024xf32>
    %reduce_sum3A_9 = vector.multi_reduction <add>, %select_n3A, %reduce_sum3A [0] : vector<50x1024xf32> to vector<1024xf32>
    %swap3A = arith.constant 0 : index
    %swap3A_10 = vector.load %arg4[%swap3A] : memref<1024xf32, #tpu.memory_space<vmem>>, vector<1024xf32>
    tpu.vector_store %arg4[%swap3A], %reduce_sum3A_9 {strides = array<i32>} : memref<1024xf32, #tpu.memory_space<vmem>>, vector<1024xf32>,
    return
  }
  func.func @transform_0(%arg0: i32) -> (i32, i32) {
    %c1250_i32 = arith.constant 1250 : i32
    %c0_i32 = arith.constant 0 : i32
    %c0_i32_0 = arith.constant 0 : i32
    return %c1250_i32, %c0_i32 : i32, i32
  }
  func.func @transform_1(%arg0: i32) -> (i32, i32) {
    %c0_i32 = arith.constant 0 : i32
    %c0_i32_0 = arith.constant 0 : i32
    %c0_i32_1 = arith.constant 0 : i32
    return %c0_i32, %c0_i32_0 : i32, i32
  }
  func.func @transform_2(%arg0: i32) -> i32 {
    %c0_i32 = arith.constant 0 : i32
    %c0_i32_0 = arith.constant 0 : i32
    return %c0_i32 : i32
  }
  func.func @transform_3(%arg0: i32) -> i32 {
    %c0_i32 = arith.constant 0 : i32
    %c0_i32_0 = arith.constant 0 : i32
    return %c0_i32 : i32
  }
}

</mosaic_0001>

<sc_bundles>
// kernel: kernel.5.cloned.1.call-start
scs
__scs_entry_jumppad:
0x0: {  	(pc) =	sbr.rel $0x88, $3  }
0x1: {  	(tag) =	ssettag $0x0;
	lr =	simm.s32 $0x1  }
0x2: {  	[smem:$0x3F9C] =	sst lr;
	_ =	strace $0xD0000000  }
0x3: {  	_ = 	snop  }
0x4: {  	_ = 	snop  }
0x5: {  	_ = 	snop  }
0x6: {  	_ = 	snop  }
0x7: {  	_ = 	snop  }
__scs_overlays_trampoline_lowered:
0x8: {  	[smem:$0x3FAB] =	sst s0  }
0x9: {  	[smem:$0x3FAC] =	sst s1  }
0xa: {  	[smem:$0x3FAD] =	sst s2  }
0xb: {  	[smem:$0x3FAE] =	sst s3  }
0xc: {  	[smem:$0x3FAF] =	sst s4  }
0xd: {  	[smem:$0x3FB0] =	sst s5  }
0xe: {  	[smem:$0x3FB1] =	sst s6  }
0xf: {  	[smem:$0x3FB2] =	sst s7  }
0x10: {  	[smem:$0x3FB3] =	sst s8  }
0x11: {  	[smem:$0x3FB4] =	sst s9;
	s0 =	simm.s32 @!p0 $0x0  }
0x12: {  	s1 =	sld [smem:$0x3F9A];
	s0 =	simm.s32 @p0 $0x1  }
0x13: {  	[smem:$0x3FB5] =	sst s0;
	s0 =	simm.s32 @!p1 $0x0  }
0x14: {  	s2 =	sld [smem:$0x3F99];
	s0 =	simm.s32 @p1 $0x1  }
0x15: {  	[smem:$0x3FB6] =	sst s0;
	s0 =	simm.s32 @!p2 $0x0  }
0x16: {  	s3 =	sld [smem:$0x3FDB];
	s0 =	simm.s32 @p2 $0x1  }
0x17: {  	s4 =	simm.s32 $0x1BF5;
	[smem:$0x3FB8] =	sst s0  }
0x18: {  	s0 =	sld [smem:$0x3F9B];
	_ =	swait.ge [sflag:s4], $0x0  }
0x19: {  	s7 =	sld [smem:$0x3F9C]  }
0x1a: {  	s8 =	sadd.s32 $0xFFFFE003, lr  }
0x1b: {  	s9 =	sadd.s32 $0xFFFFFEF7, lr;
	s5 =	simm.s32 $0xFFFFFFFF;
	p2 =	slt.u32 s8, $0xFFFFF086  }
0x1c: {  	p1 =	slt.u32 s9, $0xF7A;
	s5 =	simm.s32 @!p2 $0x0  }
0x1d: {  	s5 =	simm.s32 @p1 $0x1;
	p0 =	seq.s32 s7, s2  }
0x1e: {  	s7 =	smul.u32 @!p0 $0xF7A, s2;
	p2 =	seq.s32 @!p0 s5, $0x0  }
0x1f: {  	s9 =	smul.u32 $0xF7A, s1;
	s8 =	simm.s32 @!p0 $0x1BF5;
	p2 =	por !p2, p0  }
0x20: {  	[sflag:s8] =	ssyncset.s32 @!p0 $0xFFFFF086;
	s6 =	sadd.s32 @!p0 s3, s7;
	s7 =	simm.s32 @!p0 $0x108  }
0x21: {  	s3 =	sadd.s32 s3, s9;
	s6 =	sadd.s32 @!p0 $0x88, s6;
	s7 =	simm.s32 @p2 $0x1082  }
0x22: {  	[simem:s7], [sflag:s8] =	dma.local @!p0 [hbm:s6], $0xF7A  }
0x23: {  	s9 =	sor.u32 $0xD0000000, s2;
	s6 =	simm.s32 $0x108;
	_ =	swait.ge @!p0 [sflag:s8], $0x0  }
0x24: {  	s3 =	sadd.s32 $0x88, s3;
	s6 =	simm.s32 @!p1 $0x1082;
	[sflag:s4] =	ssyncset.s32 $0xFFFFF086  }
0x25: {  	[simem:s6], [sflag:s4] =	dma.local [hbm:s3], $0xF7A  }
0x26: {  	[smem:$0x3F9C] =	sst s1;
	(tag) =	ssettag s2;
	_ =	strace s9  }
0x27: {  	s1 =	sld [smem:$0x3FAC]  }
0x28: {  	s2 =	sld [smem:$0x3FAD]  }
0x29: {  	s4 =	sld [smem:$0x3FAF]  }
0x2a: {  	p0 =	seq.s32 s5, $0x0;
	s5 =	sld [smem:$0x3FB0]  }
0x2b: {  	s6 =	sld [smem:$0x3FB1]  }
0x2c: {  	s7 =	sld [smem:$0x3FB2]  }
0x2d: {  	s3 =	simm.s32 $0x108;
	s8 =	sld [smem:$0x3FB3]  }
0x2e: {  	s3 =	simm.s32 @!p0 $0x1082;
	s9 =	sld [smem:$0x3FB4]  }
0x2f: {  	lr =	sadd.s32 s0, s3;
	s0 =	sld [smem:$0x3FAB]  }
0x30: {  	s3 =	sld [smem:$0x3FAE]  }
0x31: {  	[smem:$0x3FB7] =	sst s10  }
0x32: {  	s10 =	sld [smem:$0x3FB5];
	_ =	sdelay $0x3  }
0x33: {  	p0 =	seq.s32 s10, $0x1;
	s10 =	sld [smem:$0x3FB7];
	_ =	sdelay $0x3  }
0x34: {  	[smem:$0x3FB7] =	sst s10  }
0x35: {  	s10 =	sld [smem:$0x3FB6];
	_ =	sdelay $0x3  }
0x36: {  	p1 =	seq.s32 s10, $0x1;
	s10 =	sld [smem:$0x3FB7];
	_ =	sdelay $0x3  }
0x37: {  	[smem:$0x3FB7] =	sst s10  }
0x38: {  	s10 =	sld [smem:$0x3FB8]  }
0x39: {  	_ = 	snop;
	(pc) =	sbr.ind lr, $3  }
0x3a: {  	_ = 	snop  }
0x3b: {  	_ = 	snop  }
0x3c: {  	p2 =	seq.s32 s10, $0x1;
	s10 =	sld [smem:$0x3FB7]  }
0x3d: {  	_ =	shalt  }
0x3e: {  	_ =	shalt  }
0x3f: {  	_ =	shalt  }
0x40: {  	_ =	shalt  }
0x41: {  	_ =	shalt  }
0x42: {  	_ =	shalt  }
0x43: {  	_ =	shalt  }
0x44: {  	_ =	shalt  }
0x45: {  	_ =	shalt  }
0x46: {  	_ =	shalt  }
0x47: {  	_ =	shalt  }
0x48: {  	_ =	shalt  }
0x49: {  	_ =	shalt  }
0x4a: {  	_ =	shalt  }
0x4b: {  	_ =	shalt  }
0x4c: {  	_ =	shalt  }
0x4d: {  	_ =	shalt  }
0x4e: {  	_ =	shalt  }
0x4f: {  	_ =	shalt  }
0x50: {  	_ =	shalt  }
0x51: {  	_ =	shalt  }
0x52: {  	_ =	shalt  }
0x53: {  	_ =	shalt  }
0x54: {  	_ =	shalt  }
0x55: {  	_ =	shalt  }
0x56: {  	_ =	shalt  }
0x57: {  	_ =	shalt  }
0x58: {  	_ =	shalt  }
0x59: {  	_ =	shalt  }
0x5a: {  	_ =	shalt  }
0x5b: {  	_ =	shalt  }
0x5c: {  	_ =	shalt  }
0x5d: {  	_ =	shalt  }
0x5e: {  	_ =	shalt  }
0x5f: {  	_ =	shalt  }
0x60: {  	_ =	shalt  }
0x61: {  	_ =	shalt  }
0x62: {  	_ =	shalt  }
0x63: {  	_ =	shalt  }
0x64: {  	_ =	shalt  }
0x65: {  	_ =	shalt  }
0x66: {  	_ =	shalt  }
0x67: {  	_ =	shalt  }
0x68: {  	_ =	shalt  }
0x69: {  	_ =	shalt  }
0x6a: {  	_ =	shalt  }
0x6b: {  	_ =	shalt  }
0x6c: {  	_ =	shalt  }
0x6d: {  	_ =	shalt  }
0x6e: {  	_ =	shalt  }
0x6f: {  	_ =	shalt  }
0x70: {  	_ =	shalt  }
0x71: {  	_ =	shalt  }
0x72: {  	_ =	shalt  }
0x73: {  	_ =	shalt  }
0x74: {  	_ =	shalt  }
0x75: {  	_ =	shalt  }
0x76: {  	_ =	shalt  }
0x77: {  	_ =	shalt  }
0x78: {  	_ =	shalt  }
0x79: {  	_ =	shalt  }
0x7a: {  	_ =	shalt  }
0x7b: {  	_ =	shalt  }
0x7c: {  	_ =	shalt  }
0x7d: {  	_ =	shalt  }
0x7e: {  	_ =	shalt  }
0x7f: {  	_ =	shalt  }
0x80: {  	_ =	shalt  }
0x81: {  	_ =	shalt  }
0x82: {  	_ =	shalt  }
0x83: {  	_ =	shalt  }
0x84: {  	_ =	shalt  }
0x85: {  	_ =	shalt  }
0x86: {  	_ =	shalt  }
0x87: {  	_ =	shalt  }
.Lfunc_end0:
.L_simem_size_0:
called_computation_lowered:
.L_overlay_start_0:
0x88: {  	s0 =	sld [smem:$0x3FD9]  }
0x89: {  	s1 =	sld [smem:$0x3FFE];
	_ =	sdelay $0x3  }
0x8a: {  	s0 =	sadd.s32 s1, s0  }
0x8b: {  	[smem:$0x3FC3] =	sst s0  }
0x8c: {  	_ = 	snop  }
0x8d: {  	s0 =	sld [smem:$0x3FC9]  }
0x8e: {  	s16 =	sld [smem:$0x3FC7];
	(tm) =	ssettm $0x1  }
0x8f: {  	s2 =	sld [smem:$0x3FFB];
	_ =	sdelay $0x3  }
0x90: {  	_ =	strace s2  }
0x91: {  	s2 =	sld [smem:$0x3FFC];
	_ =	sdelay $0x3  }
0x92: {  	_ =	strace s2  }
0x93: {  	s2 =	sld [smem:$0x3FFD];
	_ =	sdelay $0x3  }
0x94: {  	_ =	strace s2  }
0x95: {  	_ =	strace $0x8FFFFFFF  }
0x96: {  	s17 =	sld [smem:$0x3FDB];
	_ =	sdelay $0x1  }
0x97: {  	s3 =	simm.s32 $_scs_section_size  }
0x98: {  	s4 =	simm.s32 $_size__tile_overlayer_lowered;
	s5 =	simm.s32 $_tile_overlayer_lowered  }
0x99: {  	s20 =	simm.s32 $0x1BFF;
	s19 =	sshll.u32 s5, $0x1;
	s2 =	sadd.s32 s3, s17  }
0x9a: {  	s6 =	simm.s32 $0x0;
	s18 =	sshll.u32 s4, $0x1;
	s4 =	sadd.s32 s19, s2  }
0x9b: {  	[timem:s6], [sflag:s20] =	dma.local [hbm:s4], s18  }
0x9c: {  	_ =	swait.ge [sflag:s20], s18  }
0x9d: {  	s3 =	ssub.s32 $0x0, s18;
	[sflag:s20] =	ssyncset.done $0x0  }
0x9e: {  	[sflag:s20] =	ssyncadd.s32 s3;
	_ =	sdelay $0x1  }
0x9f: {  	s21 =	simm.s32 $0x1B8B  }
0xa0: {  	_ =	swait.ge [sflag:s21], $0x1  }
0xa1: {  	[sflag:s21] =	ssyncset.done $0x0  }
0xa2: {  	s23 =	simm.s32 $0x1B8E;
	s22 =	sld [smem:$0x3FFE];
	[sflag:s21] =	ssyncadd.s32 $0xFFFFFFFF  }
0xa3: {  	s24 =	simm.s32 $execute0_lowered;
	[smem:$0x3FD2] =	sst s23  }
0xa4: {  	s4 =	sshll.u32 s24, $0x1;
	_ =	strace $0x80000046;
	[dreg:$0x1] =	wrdreg $0xFFFFFFFF  }
0xa5: {  	s25 =	simm.s32 $_size_execute0_lowered;
	s2 =	sadd.s32 s2, s4;
	[dreg:$0x0] =	wrdreg $0x0  }
0xa6: {  	s4 =	sshll.u32 s25, $0x1;
	[dreg:$0x2] =	wrdreg s2  }
0xa7: {  	[dreg:$0x3] =	wrdreg s4  }
0xa8: {  	[dreg:$0x4] =	wrdreg $0xC0  }
0xa9: {  	_ =	task [dreg:s6], $0x5FFFF  }
0xaa: {  	[dreg:$0x1] =	wrdreg $0xFFFFFFFF  }
0xab: {  	[dreg:$0x0] =	wrdreg $0x60  }
0xac: {  	[dreg:$0x2] =	wrdreg s0  }
0xad: {  	[dreg:$0x3] =	wrdreg s16  }
0xae: {  	[dreg:$0x4] =	wrdreg s22  }
0xaf: {  	[dreg:$0x5] =	wrdreg $0x9  }
0xb0: {  	_ =	task.clear_ibuf [dreg:s6], $0x6FFFF;
	_ =	strace $0x90000046  }
0xb1: {  	s26 =	simm.s32 $0x9;
	_ =	strace $0x80000048  }
0xb2: {  	_ =	swait.ge [sflag:s26], $0x1  }
0xb3: {  	[sflag:s26] =	ssyncadd.s32 $0xFFFFFFFF  }
0xb4: {  	_ =	strace $0x90000048  }
0xb5: {  	_ =	sfence  }
0xb6: {  	s28 =	sld [smem:$0x0];
	_ =	sdelay $0x1  }
0xb7: {  	s29 =	srdreg.scid  }
0xb8: {  	s30 =	sshll.u32 s29, $0xD;
	s31 =	sshrl.u32 s29, $0x2  }
0xb9: {  	s1 =	sand.u32 $0x1, s29;
	s2 =	sand.u32 $0x4000, s30;
	s0 =	sadd.s32 s31, s28  }
0xba: {  	s1 =	sor.u32 s2, s1;
	s0 =	sshll.u32 s0, $0x11  }
0xbb: {  	s0 =	sor.u32 s0, s1  }
0xbc: {  	s0 =	sadd.s32 $0x8F2B, s0  }
0xbd: {  	[sflag:s0] =	ssyncadd.remote.s32 $0x1  }
0xbe: {  	_ =	sfence.sel $0xFFFF  }
0xbf: {  	[dreg:$0x0] =	wrdreg $0xFFFFFFFF;
	(pc) =	sbr.abs _section_cstart, $3  }
0xc0: {  	[dreg:$0x1] =	wrdreg $0xFFFFFFFF  }
0xc1: {  	_ =	task.clear_ibuf [dreg:s6], $0x2FFFF;
	_ =	strace $0x9FFFFFFF  }
0xc2: {  	(tm) =	ssettm $0x7FFFFFFF  }
0xc3: {  	_ =	shalt  }
tec
execute0_lowered:
.L_overlay_start_1:
0x0: {  	(tag) =	ssettag $0x1  }
0x1: {  	s7 =	rddreg [dreg:$0x0]  }
0x2: {  	s4 =	rddreg [dreg:$0x1]  }
0x3: {  	s3 =	rddreg [dreg:$0x2];
	s2 =	simm.s32 $0x0;
	s1 =	stileid.u32  }
0x4: {  	[smem:$0x7FF] =	sst s2;
	s5 =	sshll.u32 s1, $0x3  }
0x5: {  	s0 =	rddreg [dreg:$0x3];
	_ =	strace $0x80000047;
	s4 =	sadd.s32 s4, s5  }
0x6: {  	[tilespmem:s2], [sflag:$0x2] =	stream.linear.gather [hbm4b:s4+s2], $0x40, $0x38;
	[tilespmem:$0x2100] =	vst v63  }
0x7: {  	s4 =	simm.s32 $0x2  }
0x8: {  	_ =	swait.ge [sflag:s4], $0x40  }
0x9: {  	[sflag:s4] =	ssyncset.done $0x0  }
0xa: {  	[sflag:s4] =	ssyncadd.s32 $0xFFFFFFC0  }
0xb: {  	v0 =	vld [tilespmem:$0x0];
	_ =	sdelay $0x4  }
0xc: {  	v1 =	vshll.u32 v0, $0x3  }
0xd: {  	v0 =	vand.u32 $0x7, v0;
	v1 =	vand.u32 $0xFFFFFFC0, v1  }
0xe: {  	v57 =	vlaneseq.u32;
	v17 =	vor.u32 v0, v1;
	v1 =	vimm.s32 $0x0  }
0xf: {  	v0 =	vmul.u32 $0x8, v57;
	v3 =	vperm.xlane v17, v1  }
0x10: {  	v2 =	vimm.s32 $0x1  }
0x11: {  	v4 =	vperm.xlane v17, v2;
	v5 =	vadd.s32 v0, v3  }
0x12: {  	v3 =	vimm.s32 $0x2  }
0x13: {  	s6 =	sshll.u32 s1, $0x6;
	v6 =	vadd.s32 v0, v4;
	v7 =	vperm.xlane v17, v3  }
0x14: {  	s8 =	sand.u32 $0x380, s6;
	v4 =	vimm.s32 $0x3  }
0x15: {  	vm0 =	vmmov $0x1;
	s9 =	simm.s32 $0x80;
	s7 =	sadd.s32 s7, s8;
	v8 =	vperm.xlane v17, v4;
	v7 =	vadd.s32 v0, v7  }
0x16: {  	[tilespmem:s9], [sflag:$0x1] =	stream.indirect_vreg.gather [hbm4b:s7+s2], $0x80, v5, vm0, $0xb8;
	v5 =	vimm.s32 $0x4;
	[tilespmem:$0x2100] =	vst v63  }
0x17: {  	s10 =	simm.s32 $0x100;
	v9 =	vadd.s32 v0, v8;
	v58 =	vperm.xlane v17, v5  }
0x18: {  	[tilespmem:s10], [sflag:$0x1] =	stream.indirect_vreg.gather [hbm4b:s7+s2], $0x80, v6, vm0, $0xb8;
	v6 =	vimm.s32 $0x5;
	[tilespmem:$0x2100] =	vst v63  }
0x19: {  	s11 =	simm.s32 $0x180;
	v10 =	vadd.s32 v0, v58;
	v11 =	vperm.xlane v17, v6  }
0x1a: {  	v8 =	vimm.s32 $0x6;
	[tilespmem:s11], [sflag:$0x1] =	stream.indirect_vreg.gather [hbm4b:s7+s2], $0x80, v7, vm0, $0xb8;
	[tilespmem:$0x2100] =	vst v63  }
0x1b: {  	s12 =	simm.s32 $0x200;
	v12 =	vperm.xlane v17, v8;
	v11 =	vadd.s32 v0, v11  }
0x1c: {  	v7 =	vimm.s32 $0x7;
	[tilespmem:s12], [sflag:$0x1] =	stream.indirect_vreg.gather [hbm4b:s7+s2], $0x80, v9, vm0, $0xb8;
	[tilespmem:$0x2100] =	vst v63  }
0x1d: {  	s13 =	simm.s32 $0x280;
	v12 =	vadd.s32 v0, v12;
	v13 =	vperm.xlane v17, v7  }
0x1e: {  	v9 =	vimm.s32 $0x8;
	[tilespmem:s13], [sflag:$0x1] =	stream.indirect_vreg.gather [hbm4b:s7+s2], $0x80, v10, vm0, $0xb8;
	[tilespmem:$0x2100] =	vst v63  }
0x1f: {  	s14 =	simm.s32 $0x300;
	v13 =	vadd.s32 v0, v13;
	v14 =	vperm.xlane v17, v9  }
0x20: {  	v10 =	vimm.s32 $0x9;
	[tilespmem:s14], [sflag:$0x1] =	stream.indirect_vreg.gather [hbm4b:s7+s2], $0x80, v11, vm0, $0xb8;
	[tilespmem:$0x2100] =	vst v63  }
0x21: {  	s15 =	simm.s32 $0x380;
	v14 =	vadd.s32 v0, v14;
	v15 =	vperm.xlane v17, v10  }
0x22: {  	v11 =	vimm.s32 $0xA;
	[tilespmem:s15], [sflag:$0x1] =	stream.indirect_vreg.gather [hbm4b:s7+s2], $0x80, v12, vm0, $0xb8;
	[tilespmem:$0x2100] =	vst v63  }
0x23: {  	s16 =	simm.s32 $0x400;
	v15 =	vadd.s32 v0, v15;
	v16 =	vperm.xlane v17, v11  }
0x24: {  	v12 =	vimm.s32 $0xB;
	[tilespmem:s16], [sflag:$0x1] =	stream.indirect_vreg.gather [hbm4b:s7+s2], $0x80, v13, vm0, $0xb8;
	[tilespmem:$0x2100] =	vst v63  }
0x25: {  	s17 =	simm.s32 $0x480;
	v16 =	vadd.s32 v0, v16;
	v18 =	vperm.xlane v17, v12  }
0x26: {  	v13 =	vimm.s32 $0xC;
	[tilespmem:s17], [sflag:$0x1] =	stream.indirect_vreg.gather [hbm4b:s7+s2], $0x80, v14, vm0, $0xb8;
	[tilespmem:$0x2100] =	vst v63  }
0x27: {  	s18 =	simm.s32 $0x500;
	v18 =	vadd.s32 v0, v18;
	v19 =	vperm.xlane v17, v13  }
0x28: {  	v14 =	vimm.s32 $0xD;
	[tilespmem:s18], [sflag:$0x1] =	stream.indirect_vreg.gather [hbm4b:s7+s2], $0x80, v15, vm0, $0xb8;
	[tilespmem:$0x2100] =	vst v63  }
0x29: {  	s19 =	simm.s32 $0x580;
	v19 =	vadd.s32 v0, v19;
	v20 =	vperm.xlane v17, v14  }
0x2a: {  	v15 =	vimm.s32 $0xE;
	[tilespmem:s19], [sflag:$0x1] =	stream.indirect_vreg.gather [hbm4b:s7+s2], $0x80, v16, vm0, $0xb8;
	[tilespmem:$0x2100] =	vst v63  }
0x2b: {  	s20 =	simm.s32 $0x600;
	v20 =	vadd.s32 v0, v20;
	v21 =	vperm.xlane v17, v15  }
0x2c: {  	v16 =	vimm.s32 $0xF;
	[tilespmem:s20], [sflag:$0x1] =	stream.indirect_vreg.gather [hbm4b:s7+s2], $0x80, v18, vm0, $0xb8;
	[tilespmem:$0x2100] =	vst v63  }
0x2d: {  	s21 =	simm.s32 $0x680;
	v59 =	vadd.s32 v0, v21;
	v17 =	vperm.xlane v17, v16  }
0x2e: {  	[tilespmem:s21], [sflag:$0x1] =	stream.indirect_vreg.gather [hbm4b:s7+s2], $0x80, v19, vm0, $0xb8;
	[tilespmem:$0x2100] =	vst v63  }
0x2f: {  	s22 =	simm.s32 $0x700;
	v17 =	vadd.s32 v0, v17  }
0x30: {  	[tilespmem:s22], [sflag:$0x1] =	stream.indirect_vreg.gather [hbm4b:s7+s2], $0x80, v20, vm0, $0xb8;
	[tilespmem:$0x2100] =	vst v63  }
0x31: {  	s23 =	simm.s32 $0x780  }
0x32: {  	[tilespmem:s23], [sflag:$0x1] =	stream.indirect_vreg.gather [hbm4b:s7+s2], $0x80, v59, vm0, $0xb8;
	[tilespmem:$0x2100] =	vst v63  }
0x33: {  	s24 =	simm.s32 $0x800  }
0x34: {  	[tilespmem:s24], [sflag:$0x1] =	stream.indirect_vreg.gather [hbm4b:s7+s2], $0x80, v17, vm0, $0xb8;
	[tilespmem:$0x2100] =	vst v63  }
0x35: {  	v17 =	vld [tilespmem:$0x10];
	_ =	sdelay $0x4  }
0x36: {  	v60 =	vshll.u32 v17, $0x3  }
0x37: {  	v17 =	vand.u32 $0x7, v17;
	v18 =	vand.u32 $0xFFFFFFC0, v60  }
0x38: {  	v17 =	vor.u32 v17, v18  }
0x39: {  	v18 =	vperm.xlane v17, v1;
	_ =	sdelay $0x1  }
0x3a: {  	v61 =	vperm.xlane v17, v2;
	v18 =	vadd.s32 v0, v18;
	_ =	sdelay $0x1  }
0x3b: {  	v62 =	vperm.xlane v17, v3;
	v19 =	vadd.s32 v0, v61;
	_ =	sdelay $0x1  }
0x3c: {  	s25 =	simm.s32 $0x880;
	v63 =	vperm.xlane v17, v4;
	v20 =	vadd.s32 v0, v62  }
0x3d: {  	[tilespmem:s25], [sflag:$0x1] =	stream.indirect_vreg.gather [hbm4b:s7+s2], $0x80, v18, vm0, $0xb8;
	[tilespmem:$0x2100] =	vst v63  }
0x3e: {  	s26 =	simm.s32 $0x900;
	v25 =	vperm.xlane v17, v5;
	v24 =	vadd.s32 v0, v63  }
0x3f: {  	[tilespmem:s26], [sflag:$0x1] =	stream.indirect_vreg.gather [hbm4b:s7+s2], $0x80, v19, vm0, $0xb8;
	[tilespmem:$0x2100] =	vst v63  }
0x40: {  	s28 =	simm.s32 $0x980;
	v27 =	vperm.xlane v17, v6;
	v26 =	vadd.s32 v0, v25  }
0x41: {  	[tilespmem:s28], [sflag:$0x1] =	stream.indirect_vreg.gather [hbm4b:s7+s2], $0x80, v20, vm0, $0xb8;
	[tilespmem:$0x2100] =	vst v63  }
0x42: {  	s29 =	simm.s32 $0xA00;
	v29 =	vperm.xlane v17, v8;
	v28 =	vadd.s32 v0, v27  }
0x43: {  	[tilespmem:s29], [sflag:$0x1] =	stream.indirect_vreg.gather [hbm4b:s7+s2], $0x80, v24, vm0, $0xb8;
	[tilespmem:$0x2100] =	vst v63  }
0x44: {  	s30 =	simm.s32 $0xA80;
	v31 =	vperm.xlane v17, v7;
	v30 =	vadd.s32 v0, v29  }
0x45: {  	[tilespmem:s30], [sflag:$0x1] =	stream.indirect_vreg.gather [hbm4b:s7+s2], $0x80, v26, vm0, $0xb8;
	[tilespmem:$0x2100] =	vst v63  }
0x46: {  	s31 =	simm.s32 $0xB00;
	v33 =	vperm.xlane v17, v9;
	v32 =	vadd.s32 v0, v31  }
0x47: {  	[tilespmem:s31], [sflag:$0x1] =	stream.indirect_vreg.gather [hbm4b:s7+s2], $0x80, v28, vm0, $0xb8;
	[tilespmem:$0x2100] =	vst v63  }
0x48: {  	s9 =	simm.s32 $0xB80;
	v35 =	vperm.xlane v17, v10;
	v34 =	vadd.s32 v0, v33  }
0x49: {  	[tilespmem:s9], [sflag:$0x1] =	stream.indirect_vreg.gather [hbm4b:s7+s2], $0x80, v30, vm0, $0xb8;
	[tilespmem:$0x2100] =	vst v63  }
0x4a: {  	s10 =	simm.s32 $0xC00;
	v37 =	vperm.xlane v17, v11;
	v36 =	vadd.s32 v0, v35  }
0x4b: {  	[tilespmem:s10], [sflag:$0x1] =	stream.indirect_vreg.gather [hbm4b:s7+s2], $0x80, v32, vm0, $0xb8;
	[tilespmem:$0x2100] =	vst v63  }
0x4c: {  	s11 =	simm.s32 $0xC80;
	v39 =	vperm.xlane v17, v12;
	v38 =	vadd.s32 v0, v37  }
0x4d: {  	[tilespmem:s11], [sflag:$0x1] =	stream.indirect_vreg.gather [hbm4b:s7+s2], $0x80, v34, vm0, $0xb8;
	[tilespmem:$0x2100] =	vst v63  }
0x4e: {  	s12 =	simm.s32 $0xD00;
	v41 =	vperm.xlane v17, v13;
	v40 =	vadd.s32 v0, v39  }
0x4f: {  	[tilespmem:s12], [sflag:$0x1] =	stream.indirect_vreg.gather [hbm4b:s7+s2], $0x80, v36, vm0, $0xb8;
	[tilespmem:$0x2100] =	vst v63  }
0x50: {  	s13 =	simm.s32 $0xD80;
	v43 =	vperm.xlane v17, v14;
	v42 =	vadd.s32 v0, v41  }
0x51: {  	[tilespmem:s13], [sflag:$0x1] =	stream.indirect_vreg.gather [hbm4b:s7+s2], $0x80, v38, vm0, $0xb8;
	[tilespmem:$0x2100] =	vst v63  }
0x52: {  	s14 =	simm.s32 $0xE00;
	v45 =	vperm.xlane v17, v15;
	v44 =	vadd.s32 v0, v43  }
0x53: {  	[tilespmem:s14], [sflag:$0x1] =	stream.indirect_vreg.gather [hbm4b:s7+s2], $0x80, v40, vm0, $0xb8;
	[tilespmem:$0x2100] =	vst v63  }
0x54: {  	s15 =	simm.s32 $0xE80;
	v17 =	vperm.xlane v17, v16;
	v46 =	vadd.s32 v0, v45  }
0x55: {  	[tilespmem:s15], [sflag:$0x1] =	stream.indirect_vreg.gather [hbm4b:s7+s2], $0x80, v42, vm0, $0xb8;
	[tilespmem:$0x2100] =	vst v63  }
0x56: {  	s16 =	simm.s32 $0xF00;
	v17 =	vadd.s32 v0, v17  }
0x57: {  	[tilespmem:s16], [sflag:$0x1] =	stream.indirect_vreg.gather [hbm4b:s7+s2], $0x80, v44, vm0, $0xb8;
	[tilespmem:$0x2100] =	vst v63  }
0x58: {  	s17 =	simm.s32 $0xF80  }
0x59: {  	[tilespmem:s17], [sflag:$0x1] =	stream.indirect_vreg.gather [hbm4b:s7+s2], $0x80, v46, vm0, $0xb8;
	[tilespmem:$0x2100] =	vst v63  }
0x5a: {  	s18 =	simm.s32 $0x1000  }
0x5b: {  	[tilespmem:s18], [sflag:$0x1] =	stream.indirect_vreg.gather [hbm4b:s7+s2], $0x80, v17, vm0, $0xb8;
	[tilespmem:$0x2100] =	vst v63  }
0x5c: {  	v17 =	vld [tilespmem:$0x20];
	_ =	sdelay $0x4  }
0x5d: {  	v47 =	vshll.u32 v17, $0x3  }
0x5e: {  	v17 =	vand.u32 $0x7, v17;
	v18 =	vand.u32 $0xFFFFFFC0, v47  }
0x5f: {  	v17 =	vor.u32 v17, v18  }
0x60: {  	v18 =	vperm.xlane v17, v1;
	_ =	sdelay $0x1  }
0x61: {  	v48 =	vperm.xlane v17, v2;
	v18 =	vadd.s32 v0, v18;
	_ =	sdelay $0x1  }
0x62: {  	v49 =	vperm.xlane v17, v3;
	v19 =	vadd.s32 v0, v48;
	_ =	sdelay $0x1  }
0x63: {  	s19 =	simm.s32 $0x1080;
	v50 =	vperm.xlane v17, v4;
	v20 =	vadd.s32 v0, v49  }
0x64: {  	[tilespmem:s19], [sflag:$0x1] =	stream.indirect_vreg.gather [hbm4b:s7+s2], $0x80, v18, vm0, $0xb8;
	[tilespmem:$0x2100] =	vst v63  }
0x65: {  	s20 =	simm.s32 $0x1100;
	v52 =	vperm.xlane v17, v5;
	v51 =	vadd.s32 v0, v50  }
0x66: {  	[tilespmem:s20], [sflag:$0x1] =	stream.indirect_vreg.gather [hbm4b:s7+s2], $0x80, v19, vm0, $0xb8;
	[tilespmem:$0x2100] =	vst v63  }
0x67: {  	s21 =	simm.s32 $0x1180;
	v54 =	vperm.xlane v17, v6;
	v53 =	vadd.s32 v0, v52  }
0x68: {  	[tilespmem:s21], [sflag:$0x1] =	stream.indirect_vreg.gather [hbm4b:s7+s2], $0x80, v20, vm0, $0xb8;
	[tilespmem:$0x2100] =	vst v63  }
0x69: {  	s22 =	simm.s32 $0x1200;
	v56 =	vperm.xlane v17, v8;
	v55 =	vadd.s32 v0, v54  }
0x6a: {  	[tilespmem:s22], [sflag:$0x1] =	stream.indirect_vreg.gather [hbm4b:s7+s2], $0x80, v51, vm0, $0xb8;
	[tilespmem:$0x2100] =	vst v63  }
0x6b: {  	s23 =	simm.s32 $0x1280;
	v58 =	vperm.xlane v17, v7;
	v57 =	vadd.s32 v0, v56  }
0x6c: {  	[tilespmem:s23], [sflag:$0x1] =	stream.indirect_vreg.gather [hbm4b:s7+s2], $0x80, v53, vm0, $0xb8;
	[tilespmem:$0x2100] =	vst v63  }
0x6d: {  	s24 =	simm.s32 $0x1300;
	v60 =	vperm.xlane v17, v9;
	v59 =	vadd.s32 v0, v58  }
0x6e: {  	[tilespmem:s24], [sflag:$0x1] =	stream.indirect_vreg.gather [hbm4b:s7+s2], $0x80, v55, vm0, $0xb8;
	[tilespmem:$0x2100] =	vst v63  }
0x6f: {  	s25 =	simm.s32 $0x1380;
	v62 =	vperm.xlane v17, v10;
	v61 =	vadd.s32 v0, v60  }
0x70: {  	[tilespmem:s25], [sflag:$0x1] =	stream.indirect_vreg.gather [hbm4b:s7+s2], $0x80, v57, vm0, $0xb8;
	[tilespmem:$0x2100] =	vst v63  }
0x71: {  	s26 =	simm.s32 $0x1400;
	v24 =	vperm.xlane v17, v11;
	v63 =	vadd.s32 v0, v62  }
0x72: {  	[tilespmem:s26], [sflag:$0x1] =	stream.indirect_vreg.gather [hbm4b:s7+s2], $0x80, v59, vm0, $0xb8;
	[tilespmem:$0x2100] =	vst v63  }
0x73: {  	s28 =	simm.s32 $0x1480;
	v26 =	vperm.xlane v17, v12;
	v25 =	vadd.s32 v0, v24  }
0x74: {  	[tilespmem:s28], [sflag:$0x1] =	stream.indirect_vreg.gather [hbm4b:s7+s2], $0x80, v61, vm0, $0xb8;
	[tilespmem:$0x2100] =	vst v63  }
0x75: {  	s29 =	simm.s32 $0x1500;
	v28 =	vperm.xlane v17, v13;
	v27 =	vadd.s32 v0, v26  }
0x76: {  	[tilespmem:s29], [sflag:$0x1] =	stream.indirect_vreg.gather [hbm4b:s7+s2], $0x80, v63, vm0, $0xb8;
	[tilespmem:$0x2100] =	vst v63  }
0x77: {  	s30 =	simm.s32 $0x1580;
	v30 =	vperm.xlane v17, v14;
	v29 =	vadd.s32 v0, v28  }
0x78: {  	[tilespmem:s30], [sflag:$0x1] =	stream.indirect_vreg.gather [hbm4b:s7+s2], $0x80, v25, vm0, $0xb8;
	[tilespmem:$0x2100] =	vst v63  }
0x79: {  	s31 =	simm.s32 $0x1600;
	v32 =	vperm.xlane v17, v15;
	v31 =	vadd.s32 v0, v30  }
0x7a: {  	[tilespmem:s31], [sflag:$0x1] =	stream.indirect_vreg.gather [hbm4b:s7+s2], $0x80, v27, vm0, $0xb8;
	[tilespmem:$0x2100] =	vst v63  }
0x7b: {  	s9 =	simm.s32 $0x1680;
	v17 =	vperm.xlane v17, v16;
	v33 =	vadd.s32 v0, v32  }
0x7c: {  	[tilespmem:s9], [sflag:$0x1] =	stream.indirect_vreg.gather [hbm4b:s7+s2], $0x80, v29, vm0, $0xb8;
	[tilespmem:$0x2100] =	vst v63  }
0x7d: {  	s10 =	simm.s32 $0x1700;
	v17 =	vadd.s32 v0, v17  }
0x7e: {  	[tilespmem:s10], [sflag:$0x1] =	stream.indirect_vreg.gather [hbm4b:s7+s2], $0x80, v31, vm0, $0xb8;
	[tilespmem:$0x2100] =	vst v63  }
0x7f: {  	s11 =	simm.s32 $0x1780  }
0x80: {  	[tilespmem:s11], [sflag:$0x1] =	stream.indirect_vreg.gather [hbm4b:s7+s2], $0x80, v33, vm0, $0xb8;
	[tilespmem:$0x2100] =	vst v63  }
0x81: {  	s12 =	simm.s32 $0x1800  }
0x82: {  	[tilespmem:s12], [sflag:$0x1] =	stream.indirect_vreg.gather [hbm4b:s7+s2], $0x80, v17, vm0, $0xb8;
	[tilespmem:$0x2100] =	vst v63  }
0x83: {  	v17 =	vld [tilespmem:$0x30];
	_ =	sdelay $0x4  }
0x84: {  	v34 =	vshll.u32 v17, $0x3  }
0x85: {  	v17 =	vand.u32 $0x7, v17;
	v18 =	vand.u32 $0xFFFFFFC0, v34  }
0x86: {  	v17 =	vor.u32 v17, v18  }
0x87: {  	v1 =	vperm.xlane v17, v1;
	_ =	sdelay $0x1  }
0x88: {  	v2 =	vperm.xlane v17, v2;
	v1 =	vadd.s32 v0, v1;
	_ =	sdelay $0x1  }
0x89: {  	v3 =	vperm.xlane v17, v3;
	v2 =	vadd.s32 v0, v2;
	_ =	sdelay $0x1  }
0x8a: {  	s13 =	simm.s32 $0x1880;
	v4 =	vperm.xlane v17, v4;
	v3 =	vadd.s32 v0, v3  }
0x8b: {  	[tilespmem:s13], [sflag:$0x1] =	stream.indirect_vreg.gather [hbm4b:s7+s2], $0x80, v1, vm0, $0xb8;
	[tilespmem:$0x2100] =	vst v63  }
0x8c: {  	s14 =	simm.s32 $0x1900;
	v36 =	vperm.xlane v17, v5;
	v35 =	vadd.s32 v0, v4  }
0x8d: {  	[tilespmem:s14], [sflag:$0x1] =	stream.indirect_vreg.gather [hbm4b:s7+s2], $0x80, v2, vm0, $0xb8;
	[tilespmem:$0x2100] =	vst v63  }
0x8e: {  	s15 =	simm.s32 $0x1980;
	v38 =	vperm.xlane v17, v6;
	v37 =	vadd.s32 v0, v36  }
0x8f: {  	[tilespmem:s15], [sflag:$0x1] =	stream.indirect_vreg.gather [hbm4b:s7+s2], $0x80, v3, vm0, $0xb8;
	[tilespmem:$0x2100] =	vst v63  }
0x90: {  	s16 =	simm.s32 $0x1A00;
	v40 =	vperm.xlane v17, v8;
	v39 =	vadd.s32 v0, v38  }
0x91: {  	[tilespmem:s16], [sflag:$0x1] =	stream.indirect_vreg.gather [hbm4b:s7+s2], $0x80, v35, vm0, $0xb8;
	[tilespmem:$0x2100] =	vst v63  }
0x92: {  	s17 =	simm.s32 $0x1A80;
	v42 =	vperm.xlane v17, v7;
	v41 =	vadd.s32 v0, v40  }
0x93: {  	[tilespmem:s17], [sflag:$0x1] =	stream.indirect_vreg.gather [hbm4b:s7+s2], $0x80, v37, vm0, $0xb8;
	[tilespmem:$0x2100] =	vst v63  }
0x94: {  	s18 =	simm.s32 $0x1B00;
	v44 =	vperm.xlane v17, v9;
	v43 =	vadd.s32 v0, v42  }
0x95: {  	[tilespmem:s18], [sflag:$0x1] =	stream.indirect_vreg.gather [hbm4b:s7+s2], $0x80, v39, vm0, $0xb8;
	[tilespmem:$0x2100] =	vst v63  }
0x96: {  	s19 =	simm.s32 $0x1B80;
	v46 =	vperm.xlane v17, v10;
	v45 =	vadd.s32 v0, v44  }
0x97: {  	[tilespmem:s19], [sflag:$0x1] =	stream.indirect_vreg.gather [hbm4b:s7+s2], $0x80, v41, vm0, $0xb8;
	[tilespmem:$0x2100] =	vst v63  }
0x98: {  	s20 =	simm.s32 $0x1C00;
	v48 =	vperm.xlane v17, v11;
	v47 =	vadd.s32 v0, v46  }
0x99: {  	[tilespmem:s20], [sflag:$0x1] =	stream.indirect_vreg.gather [hbm4b:s7+s2], $0x80, v43, vm0, $0xb8;
	[tilespmem:$0x2100] =	vst v63  }
0x9a: {  	s21 =	simm.s32 $0x1C80;
	v50 =	vperm.xlane v17, v12;
	v49 =	vadd.s32 v0, v48  }
0x9b: {  	[tilespmem:s21], [sflag:$0x1] =	stream.indirect_vreg.gather [hbm4b:s7+s2], $0x80, v45, vm0, $0xb8;
	[tilespmem:$0x2100] =	vst v63  }
0x9c: {  	s22 =	simm.s32 $0x1D00;
	v52 =	vperm.xlane v17, v13;
	v51 =	vadd.s32 v0, v50  }
0x9d: {  	[tilespmem:s22], [sflag:$0x1] =	stream.indirect_vreg.gather [hbm4b:s7+s2], $0x80, v47, vm0, $0xb8;
	[tilespmem:$0x2100] =	vst v63  }
0x9e: {  	s23 =	simm.s32 $0x1D80;
	v54 =	vperm.xlane v17, v14;
	v53 =	vadd.s32 v0, v52  }
0x9f: {  	[tilespmem:s23], [sflag:$0x1] =	stream.indirect_vreg.gather [hbm4b:s7+s2], $0x80, v49, vm0, $0xb8;
	[tilespmem:$0x2100] =	vst v63  }
0xa0: {  	s24 =	simm.s32 $0x1E00;
	v56 =	vperm.xlane v17, v15;
	v55 =	vadd.s32 v0, v54  }
0xa1: {  	[tilespmem:s24], [sflag:$0x1] =	stream.indirect_vreg.gather [hbm4b:s7+s2], $0x80, v51, vm0, $0xb8;
	[tilespmem:$0x2100] =	vst v63  }
0xa2: {  	s25 =	simm.s32 $0x1E80;
	v58 =	vperm.xlane v17, v16;
	v57 =	vadd.s32 v0, v56  }
0xa3: {  	[tilespmem:s25], [sflag:$0x1] =	stream.indirect_vreg.gather [hbm4b:s7+s2], $0x80, v53, vm0, $0xb8;
	[tilespmem:$0x2100] =	vst v63  }
0xa4: {  	s26 =	simm.s32 $0x1F00;
	v0 =	vadd.s32 v0, v58  }
0xa5: {  	[tilespmem:s26], [sflag:$0x1] =	stream.indirect_vreg.gather [hbm4b:s7+s2], $0x80, v55, vm0, $0xb8;
	[tilespmem:$0x2100] =	vst v63  }
0xa6: {  	s28 =	simm.s32 $0x1F80  }
0xa7: {  	[tilespmem:s28], [sflag:$0x1] =	stream.indirect_vreg.gather [hbm4b:s7+s2], $0x80, v57, vm0, $0xb8;
	[tilespmem:$0x2100] =	vst v63  }
0xa8: {  	s29 =	simm.s32 $0x2000;
	s30 =	simm.s32 $0x1  }
0xa9: {  	[tilespmem:s29], [sflag:$0x1] =	stream.indirect_vreg.gather [hbm4b:s7+s2], $0x80, v0, vm0, $0xb8;
	[tilespmem:$0x2100] =	vst v63  }
0xaa: {  	_ =	swait.ge [sflag:s30], $0x2000  }
0xab: {  	[sflag:s30] =	ssyncset.done $0x0  }
0xac: {  	s6 =	sand.u32 $0x40, s6;
	[sflag:s30] =	ssyncadd.s32 $0xFFFFE000  }
0xad: {  	v59 =	vld [tilespmem:s6+$0x80]  }
0xae: {  	v60 =	vld [tilespmem:s6+$0x100]  }
0xaf: {  	v61 =	vld [tilespmem:s6+$0x180]  }
0xb0: {  	v62 =	vld [tilespmem:s6+$0x200]  }
0xb1: {  	v63 =	vld [tilespmem:s6+$0x280]  }
0xb2: {  	v8 =	vld [tilespmem:s6+$0x300]  }
0xb3: {  	vm1 =	vmmov $0x3;
	v9 =	vld [tilespmem:s6+$0x380];
	v0 =	vsel vm0, v59, v60  }
0xb4: {  	vm2 =	vmmov $0x7;
	v10 =	vld [tilespmem:s6+$0x400];
	v0 =	vsel vm1, v0, v61  }
0xb5: {  	vm3 =	vmmov $0xf;
	v11 =	vld [tilespmem:s6+$0x480];
	v0 =	vsel vm2, v0, v62  }
0xb6: {  	vm4 =	vmmov $0x1f;
	v12 =	vld [tilespmem:s6+$0x500];
	v0 =	vsel vm3, v0, v63  }
0xb7: {  	vm5 =	vmmov $0x3f;
	v13 =	vld [tilespmem:s6+$0x580];
	v0 =	vsel vm4, v0, v8  }
0xb8: {  	vm6 =	vmmov $0x7f;
	v14 =	vld [tilespmem:s6+$0x600];
	v0 =	vsel vm5, v0, v9  }
0xb9: {  	vm7 =	vmmov $0xff;
	v15 =	vld [tilespmem:s6+$0x680];
	v0 =	vsel vm6, v0, v10  }
0xba: {  	vm8 =	vmmov $0x1ff;
	v16 =	vld [tilespmem:s6+$0x700];
	v0 =	vsel vm7, v0, v11  }
0xbb: {  	vm9 =	vmmov $0x3ff;
	v17 =	vld [tilespmem:s6+$0x780];
	v0 =	vsel vm8, v0, v12  }
0xbc: {  	vm10 =	vmmov $0x7ff;
	v18 =	vld [tilespmem:s6+$0x800];
	v0 =	vsel vm9, v0, v13  }
0xbd: {  	vm11 =	vmmov $0xfff;
	v0 =	vsel vm10, v0, v14  }
0xbe: {  	vm12 =	vmmov $0x1fff;
	v0 =	vsel vm11, v0, v15  }
0xbf: {  	vm13 =	vmmov $0x3fff;
	v0 =	vsel vm12, v0, v16  }
0xc0: {  	vm14 =	vmmov $0x7fff;
	v0 =	vsel vm13, v0, v17  }
0xc1: {  	v0 =	vsel vm14, v0, v18  }
0xc2: {  	[tilespmem:$0x2080] =	vst v0  }
0xc3: {  	v0 =	vld [tilespmem:s6+$0x890]  }
0xc4: {  	v19 =	vld [tilespmem:s6+$0x910]  }
0xc5: {  	v20 =	vld [tilespmem:s6+$0x990]  }
0xc6: {  	v21 =	vld [tilespmem:s6+$0xA10]  }
0xc7: {  	v22 =	vld [tilespmem:s6+$0xA90]  }
0xc8: {  	v23 =	vld [tilespmem:s6+$0xB10]  }
0xc9: {  	v24 =	vld [tilespmem:s6+$0xB90];
	v0 =	vsel vm0, v0, v19  }
0xca: {  	v25 =	vld [tilespmem:s6+$0xC10];
	v0 =	vsel vm1, v0, v20  }
0xcb: {  	v26 =	vld [tilespmem:s6+$0xC90];
	v0 =	vsel vm2, v0, v21  }
0xcc: {  	v27 =	vld [tilespmem:s6+$0xD10];
	v0 =	vsel vm3, v0, v22  }
0xcd: {  	v28 =	vld [tilespmem:s6+$0xD90];
	v0 =	vsel vm4, v0, v23  }
0xce: {  	v29 =	vld [tilespmem:s6+$0xE10];
	v0 =	vsel vm5, v0, v24  }
0xcf: {  	v30 =	vld [tilespmem:s6+$0xE90];
	v0 =	vsel vm6, v0, v25  }
0xd0: {  	v31 =	vld [tilespmem:s6+$0xF10];
	v0 =	vsel vm7, v0, v26  }
0xd1: {  	v32 =	vld [tilespmem:s6+$0xF90];
	v0 =	vsel vm8, v0, v27  }
0xd2: {  	v33 =	vld [tilespmem:s6+$0x1010];
	v0 =	vsel vm9, v0, v28  }
0xd3: {  	v0 =	vsel vm10, v0, v29  }
0xd4: {  	v0 =	vsel vm11, v0, v30  }
0xd5: {  	v0 =	vsel vm12, v0, v31  }
0xd6: {  	v0 =	vsel vm13, v0, v32  }
0xd7: {  	v0 =	vsel vm14, v0, v33  }
0xd8: {  	[tilespmem:$0x2090] =	vst v0  }
0xd9: {  	v0 =	vld [tilespmem:s6+$0x10A0]  }
0xda: {  	v34 =	vld [tilespmem:s6+$0x1120]  }
0xdb: {  	v35 =	vld [tilespmem:s6+$0x11A0]  }
0xdc: {  	v36 =	vld [tilespmem:s6+$0x1220]  }
0xdd: {  	v37 =	vld [tilespmem:s6+$0x12A0]  }
0xde: {  	v38 =	vld [tilespmem:s6+$0x1320]  }
0xdf: {  	v39 =	vld [tilespmem:s6+$0x13A0];
	v0 =	vsel vm0, v0, v34  }
0xe0: {  	v40 =	vld [tilespmem:s6+$0x1420];
	v0 =	vsel vm1, v0, v35  }
0xe1: {  	v41 =	vld [tilespmem:s6+$0x14A0];
	v0 =	vsel vm2, v0, v36  }
0xe2: {  	v42 =	vld [tilespmem:s6+$0x1520];
	v0 =	vsel vm3, v0, v37  }
0xe3: {  	v43 =	vld [tilespmem:s6+$0x15A0];
	v0 =	vsel vm4, v0, v38  }
0xe4: {  	v44 =	vld [tilespmem:s6+$0x1620];
	v0 =	vsel vm5, v0, v39  }
0xe5: {  	v45 =	vld [tilespmem:s6+$0x16A0];
	v0 =	vsel vm6, v0, v40  }
0xe6: {  	v46 =	vld [tilespmem:s6+$0x1720];
	v0 =	vsel vm7, v0, v41  }
0xe7: {  	v47 =	vld [tilespmem:s6+$0x17A0];
	v0 =	vsel vm8, v0, v42  }
0xe8: {  	v48 =	vld [tilespmem:s6+$0x1820];
	v0 =	vsel vm9, v0, v43  }
0xe9: {  	v0 =	vsel vm10, v0, v44  }
0xea: {  	v0 =	vsel vm11, v0, v45  }
0xeb: {  	v0 =	vsel vm12, v0, v46  }
0xec: {  	v0 =	vsel vm13, v0, v47  }
0xed: {  	v0 =	vsel vm14, v0, v48  }
0xee: {  	[tilespmem:$0x20A0] =	vst v0  }
0xef: {  	v0 =	vld [tilespmem:s6+$0x18B0]  }
0xf0: {  	v49 =	vld [tilespmem:s6+$0x1930]  }
0xf1: {  	v50 =	vld [tilespmem:s6+$0x19B0]  }
0xf2: {  	v51 =	vld [tilespmem:s6+$0x1A30]  }
0xf3: {  	v52 =	vld [tilespmem:s6+$0x1AB0]  }
0xf4: {  	v53 =	vld [tilespmem:s6+$0x1B30]  }
0xf5: {  	v54 =	vld [tilespmem:s6+$0x1BB0];
	v0 =	vsel vm0, v0, v49  }
0xf6: {  	v55 =	vld [tilespmem:s6+$0x1C30];
	v0 =	vsel vm1, v0, v50  }
0xf7: {  	v56 =	vld [tilespmem:s6+$0x1CB0];
	v0 =	vsel vm2, v0, v51  }
0xf8: {  	v57 =	vld [tilespmem:s6+$0x1D30];
	v0 =	vsel vm3, v0, v52  }
0xf9: {  	v58 =	vld [tilespmem:s6+$0x1DB0];
	v0 =	vsel vm4, v0, v53  }
0xfa: {  	v59 =	vld [tilespmem:s6+$0x1E30];
	v0 =	vsel vm5, v0, v54  }
0xfb: {  	v60 =	vld [tilespmem:s6+$0x1EB0];
	v0 =	vsel vm6, v0, v55  }
0xfc: {  	v61 =	vld [tilespmem:s6+$0x1F30];
	v0 =	vsel vm7, v0, v56  }
0xfd: {  	v62 =	vld [tilespmem:s6+$0x1FB0];
	v0 =	vsel vm8, v0, v57  }
0xfe: {  	v63 =	vld [tilespmem:s6+$0x2030];
	v0 =	vsel vm9, v0, v58  }
0xff: {  	v0 =	vsel vm10, v0, v59  }
0x100: {  	v0 =	vsel vm11, v0, v60  }
0x101: {  	v0 =	vsel vm12, v0, v61  }
0x102: {  	v0 =	vsel vm13, v0, v62  }
0x103: {  	s3 =	sadd.s32 s5, s3;
	v0 =	vsel vm14, v0, v63  }
0x104: {  	s3 =	sadd.s32 $0xC00, s3;
	s31 =	simm.s32 $0x2080;
	[tilespmem:$0x20B0] =	vst v0  }
0x105: {  	[hbm4b:s3+s2] =	stream.linear.scatter [tilespmem:s31], [sflag:$0x2], $0x40, $0x38;
	[tilespmem:$0x2100] =	vst v63  }
0x106: {  	_ =	swait.ge [sflag:s4], $0x40  }
0x107: {  	[sflag:s4] =	ssyncset.done $0x0  }
0x108: {  	[sflag:s4] =	ssyncadd.s32 $0xFFFFFFC0  }
0x109: {  	_ =	sfence.sel $0x180000  }
0x10a: {  	[bflag:$0x0] =	sbarrier.arrive $0xFFFF  }
0x10b: {  	p0 =	sne.s32 s1, $0x0;
	_ =	strace $0x90000047  }
0x10c: {  	s0 =	sadd.s32 @!p0 $0x100000, s0;
	[bflag:$0x2] =	sbarrier.arrive $0xFFFF  }
0x10d: {  	[sflag:s0] =	ssyncadd.tile.s32 @!p0 $0x1;
	_ =	shalt  }
.Lfunc_end2:
_tile_overlayer_lowered:
.L_overlay_start_2:
0x10e: {  	(tag) =	ssettag $0x2  }
0x10f: {  	s0 =	rddreg [dreg:$0x0];
	s2 =	stileid.u32  }
0x110: {  	s1 =	rddreg [dreg:$0x1];
	p0 =	sne.s32 s2, $0x0  }
0x111: {  	s3 =	rddreg [dreg:$0x2];
	[bflag:$0x3] =	sbarrier.arrive $0xFFFF;
	s2 =	simm.s32 @!p0 $0x1C02  }
0x112: {  	[timem:s3], [sflag:s2] =	dma.local @!p0 [hbm:s0], s1  }
0x113: {  	s0 =	simm.s32 @!p0 $0x2  }
0x114: {  	_ =	swait.ge @!p0 [sflag:s0], s1  }
0x115: {  	s1 =	ssub.s32 @!p0 $0x0, s1;
	[sflag:s0] =	ssyncset.done @!p0 $0x0  }
0x116: {  	[sflag:s0] =	ssyncadd.s32 @!p0 s1  }
0x117: {  	[bflag:$0x3] =	sbarrier.arrive $0xFFFF  }
0x118: {  	_ =	shalt  }

</sc_bundles>
